<compile_context>
chip_gen: v7x
topology: tpu7x:2x2x1
jax: 0.10.2.dev20260603
libtpu: 0.0.44.dev20260713+nightly
codegen_flags: <defaults>
</compile_context>

<pallas_src>
import functools

import jax
import jax.numpy as jnp
from jax import lax
from jax.experimental import pallas as pl
from jax.experimental.pallas import tpu as pltpu
from jax.experimental.pallas import tpu_sc as plsc

VOCAB = 6147
DIM = 896
BATCH = 1024
SEQ = 200

B = BATCH * SEQ
NC, NS = 2, 16
NW = NC * NS
B_PER_W = B // NW
CHUNK = 32
N_CHUNKS = B_PER_W // CHUNK
NBUF = 3
N_PASSES = N_CHUNKS // NBUF

_mesh = plsc.VectorSubcoreMesh(core_axis_name="c", subcore_axis_name="s")


@functools.partial(
    pl.kernel,
    mesh=_mesh,
    out_type=jax.ShapeDtypeStruct((B, DIM), jnp.float32),
    scratch_types=[
        pltpu.VMEM((N_CHUNKS, CHUNK), jnp.int32),
        *[pltpu.VMEM((CHUNK, DIM), jnp.float32) for _ in range(NBUF)],
        *[pltpu.SemaphoreType.DMA for _ in range(NBUF)],
    ],
)
def _gather_rows(idx_hbm, table_hbm, out_hbm, idx_v, *bufs_and_sems):
    bufs = bufs_and_sems[:NBUF]
    sems = bufs_and_sems[NBUF:]
    wid = lax.axis_index("s") * NC + lax.axis_index("c")
    base = wid * B_PER_W
    pltpu.sync_copy(idx_hbm.at[wid], idx_v)

    for r in range(NBUF):
        pltpu.async_copy(table_hbm.at[idx_v.at[r]], bufs[r], sems[r])

    def body(q, carry):
        c0 = NBUF * q
        for r in range(NBUF):
            c = c0 + r
            pltpu.make_async_copy(
                table_hbm.at[idx_v.at[c]], bufs[r], sems[r]).wait()
            pltpu.sync_copy(bufs[r], out_hbm.at[pl.ds(base + c * CHUNK, CHUNK)])
            nxt = jnp.minimum(c + NBUF, N_CHUNKS - 1)
            pltpu.async_copy(table_hbm.at[idx_v.at[nxt]], bufs[r], sems[r])
        return carry

    lax.fori_loop(0, N_PASSES, body, 0)
    for r in range(NBUF):
        c = N_PASSES * NBUF + r
        pltpu.make_async_copy(
            table_hbm.at[idx_v.at[N_CHUNKS - 1]], bufs[r], sems[r]).wait()
        if c < N_CHUNKS:
            pltpu.sync_copy(bufs[r], out_hbm.at[pl.ds(base + c * CHUNK, CHUNK)])


def kernel(token_ids, table):
    idx = token_ids.reshape(NW, N_CHUNKS, CHUNK).astype(jnp.int32)
    out = _gather_rows(idx, table)
    return out.reshape(BATCH, SEQ, DIM)

# --- scband reference (transcript-rebuilt; emitter-appended) ---
"""Pipeline reference for scband-speech-embedding-wrapper-65936337928773 (READ-ONLY COPY).

The authoritative reference and input builder live on the scoring server;
editing this copy changes nothing except your own understanding.
"""

import jax, jax.numpy as jnp
import numpy as np

VOCAB = 6147
DIM = 896
BATCH = 1024
SEQ = 200

def setup_inputs(seed: int = 0) -> dict:
    key = jax.random.key(seed)
    k_idx, k_tab = jax.random.split(key)
    token_ids = jax.random.randint(k_idx, (BATCH, SEQ), 0, VOCAB, dtype=jnp.int64 if jax.config.jax_enable_x64 else jnp.int32)
    table = jax.random.normal(k_tab, (VOCAB, DIM), dtype=jnp.float32) * 0.02
    return {"token_ids": token_ids, "table": table}

def reference(token_ids, table):
    # Faithful translation of torch.nn.Embedding forward: gather rows by index.
    return jnp.take(table, token_ids, axis=0)

if __name__ == "__main__":
    import jax
    _d = setup_inputs()
    print(jax.jit(kernel)(*tuple(_d.values())))

</pallas_src>

<mosaic_0001>
#map = affine_map<(d0, d1) -> (0, 0, 0)>
#map1 = affine_map<(d0, d1) -> (0, 0)>
module attributes {stable_mosaic.version = 14 : i64} {
  func.func @_gather_rows(%arg0: i32, %arg1: i32, %arg2: memref<32x200x32xi32, #tpu.memory_space<hbm>>, %arg3: memref<6147x896xf32, #tpu.memory_space<hbm>>, %arg4: memref<204800x896xf32, #tpu.memory_space<hbm>>, %arg5: memref<200x32xi32, #tpu.memory_space<vmem>>, %arg6: memref<32x896xf32, #tpu.memory_space<vmem>>, %arg7: memref<32x896xf32, #tpu.memory_space<vmem>>, %arg8: memref<32x896xf32, #tpu.memory_space<vmem>>, %arg9: memref<!tpu.dma_semaphore, #tpu.memory_space<semaphore_mem>>, %arg10: memref<!tpu.dma_semaphore, #tpu.memory_space<semaphore_mem>>, %arg11: memref<!tpu.dma_semaphore, #tpu.memory_space<semaphore_mem>>) attributes {dimension_semantics = [#tpu.dimension_semantics<core_parallel>, #tpu.dimension_semantics<subcore_parallel>], iteration_bounds = array<i64: 2, 16>, scalar_prefetch = 0 : i64, scratch_operands = 7 : i64, tpu.core_type = #tpu.core_type<sc_vector_subcore>, window_params = [{transform_indices = #map}, {transform_indices = #map1}, {transform_indices = #map1}]} {
    %mul3A = arith.constant 2 : i32
    %mul3A_0 = arith.muli %arg1, %mul3A : i32
    %add3A = arith.addi %mul3A_0, %arg0 : i32
    %mul3A_1 = arith.constant 6400 : i32
    %mul3A_2 = arith.muli %add3A, %mul3A_1 : i32
    "tpu.region"() ({
      %run_scoped3A = tpu.sem_alloc : memref<!tpu.dma_semaphore, #tpu.memory_space<semaphore_mem>>
      %dma_start3A_52 = arith.constant 0 : i32
      %dma_start3A_53 = arith.constant 0 : i32
      %dma_start3A_54 = tpu.memref_slice %arg2[%add3A, %dma_start3A_52, %dma_start3A_53] : memref<32x200x32xi32, #tpu.memory_space<hbm>> -> memref<1x200x32xi32, #tpu.memory_space<hbm>>
      %dma_start3A_55 = tpu.memref_squeeze %dma_start3A_54 : memref<1x200x32xi32, #tpu.memory_space<hbm>> -> memref<200x32xi32, #tpu.memory_space<hbm>>
      %dma_start3A_56 = arith.constant 0 : i32
      %dma_start3A_57 = arith.constant 0 : i32
      %dma_start3A_58 = tpu.memref_slice %arg2[%add3A, %dma_start3A_56, %dma_start3A_57] : memref<32x200x32xi32, #tpu.memory_space<hbm>> -> memref<1x200x32xi32, #tpu.memory_space<hbm>>
      %dma_start3A_59 = tpu.memref_squeeze %dma_start3A_58 : memref<1x200x32xi32, #tpu.memory_space<hbm>> -> memref<200x32xi32, #tpu.memory_space<hbm>>
      tpu.enqueue_dma source(%dma_start3A_59 : memref<200x32xi32, #tpu.memory_space<hbm>>) target(%arg5 : memref<200x32xi32, #tpu.memory_space<vmem>>) target_semaphore(%run_scoped3A : memref<!tpu.dma_semaphore, #tpu.memory_space<semaphore_mem>>)
      %dma_wait3A_60 = arith.constant 0 : i32
      %dma_wait3A_61 = arith.constant 0 : i32
      %dma_wait3A_62 = tpu.memref_slice %arg2[%add3A, %dma_wait3A_60, %dma_wait3A_61] : memref<32x200x32xi32, #tpu.memory_space<hbm>> -> memref<1x200x32xi32, #tpu.memory_space<hbm>>
      %dma_wait3A_63 = tpu.memref_squeeze %dma_wait3A_62 : memref<1x200x32xi32, #tpu.memory_space<hbm>> -> memref<200x32xi32, #tpu.memory_space<hbm>>
      %dma_wait3A_64 = arith.constant 0 : i32
      %dma_wait3A_65 = arith.constant 0 : i32
      %dma_wait3A_66 = tpu.memref_slice %arg2[%add3A, %dma_wait3A_64, %dma_wait3A_65] : memref<32x200x32xi32, #tpu.memory_space<hbm>> -> memref<1x200x32xi32, #tpu.memory_space<hbm>>
      %dma_wait3A_67 = tpu.memref_squeeze %dma_wait3A_66 : memref<1x200x32xi32, #tpu.memory_space<hbm>> -> memref<200x32xi32, #tpu.memory_space<hbm>>
      tpu.wait_dma2 semaphore(%run_scoped3A : memref<!tpu.dma_semaphore, #tpu.memory_space<semaphore_mem>>) src(%dma_wait3A_67 : memref<200x32xi32, #tpu.memory_space<hbm>>) dst(%arg5 : memref<200x32xi32, #tpu.memory_space<vmem>>)
      tpu.yield
    }) : () -> ()
    %dma_start3A = arith.constant 0 : i32
    %dma_start3A_3 = arith.constant 0 : i32
    %dma_start3A_4 = tpu.memref_slice %arg5[%dma_start3A, %dma_start3A_3] : memref<200x32xi32, #tpu.memory_space<vmem>> -> memref<1x32xi32, #tpu.memory_space<vmem>>
    %dma_start3A_5 = tpu.memref_squeeze %dma_start3A_4 : memref<1x32xi32, #tpu.memory_space<vmem>> -> memref<32xi32, #tpu.memory_space<vmem>>
    %dma_start3A_6 = arith.constant 0 : i32
    %dma_start3A_7 = arith.constant 0 : i32
    %dma_start3A_8 = tpu.memref_slice %arg3[%dma_start3A_6, %dma_start3A_7] : memref<6147x896xf32, #tpu.memory_space<hbm>> -> memref<6147x896xf32, #tpu.memory_space<hbm>>
    tpu.enqueue_indirect_dma source(%dma_start3A_8 : memref<6147x896xf32, #tpu.memory_space<hbm>>) target(%arg6 : memref<32x896xf32, #tpu.memory_space<vmem>>) offsets(%dma_start3A_5 : memref<32xi32, #tpu.memory_space<vmem>>) semaphore(%arg9 : memref<!tpu.dma_semaphore, #tpu.memory_space<semaphore_mem>>)
    %dma_start3A_9 = arith.constant 1 : i32
    %dma_start3A_10 = arith.constant 0 : i32
    %dma_start3A_11 = tpu.memref_slice %arg5[%dma_start3A_9, %dma_start3A_10] : memref<200x32xi32, #tpu.memory_space<vmem>> -> memref<1x32xi32, #tpu.memory_space<vmem>>
    %dma_start3A_12 = tpu.memref_squeeze %dma_start3A_11 : memref<1x32xi32, #tpu.memory_space<vmem>> -> memref<32xi32, #tpu.memory_space<vmem>>
    %dma_start3A_13 = arith.constant 0 : i32
    %dma_start3A_14 = arith.constant 0 : i32
    %dma_start3A_15 = tpu.memref_slice %arg3[%dma_start3A_13, %dma_start3A_14] : memref<6147x896xf32, #tpu.memory_space<hbm>> -> memref<6147x896xf32, #tpu.memory_space<hbm>>
    tpu.enqueue_indirect_dma source(%dma_start3A_15 : memref<6147x896xf32, #tpu.memory_space<hbm>>) target(%arg7 : memref<32x896xf32, #tpu.memory_space<vmem>>) offsets(%dma_start3A_12 : memref<32xi32, #tpu.memory_space<vmem>>) semaphore(%arg10 : memref<!tpu.dma_semaphore, #tpu.memory_space<semaphore_mem>>)
    %dma_start3A_16 = arith.constant 2 : i32
    %dma_start3A_17 = arith.constant 0 : i32
    %dma_start3A_18 = tpu.memref_slice %arg5[%dma_start3A_16, %dma_start3A_17] : memref<200x32xi32, #tpu.memory_space<vmem>> -> memref<1x32xi32, #tpu.memory_space<vmem>>
    %dma_start3A_19 = tpu.memref_squeeze %dma_start3A_18 : memref<1x32xi32, #tpu.memory_space<vmem>> -> memref<32xi32, #tpu.memory_space<vmem>>
    %dma_start3A_20 = arith.constant 0 : i32
    %dma_start3A_21 = arith.constant 0 : i32
    %dma_start3A_22 = tpu.memref_slice %arg3[%dma_start3A_20, %dma_start3A_21] : memref<6147x896xf32, #tpu.memory_space<hbm>> -> memref<6147x896xf32, #tpu.memory_space<hbm>>
    tpu.enqueue_indirect_dma source(%dma_start3A_22 : memref<6147x896xf32, #tpu.memory_space<hbm>>) target(%arg8 : memref<32x896xf32, #tpu.memory_space<vmem>>) offsets(%dma_start3A_19 : memref<32xi32, #tpu.memory_space<vmem>>) semaphore(%arg11 : memref<!tpu.dma_semaphore, #tpu.memory_space<semaphore_mem>>)
    %scan3A = arith.constant 0 : i32
    %scan3A_23 = arith.constant 0 : i32
    %scan3A_24 = arith.constant 66 : i32
    %scan3A_25 = arith.addi %scan3A_23, %scan3A_24 : i32
    %scan3A_26 = arith.constant 1 : i32
    scf.for %scan3A_52 = %scan3A_23 to %scan3A_25 step %scan3A_26  : i32 {
      %mul3A_53 = arith.constant 3 : i32
      %mul3A_54 = arith.muli %mul3A_53, %scan3A_52 : i32
      %add3A_55 = arith.constant 0 : i32
      %add3A_56 = arith.addi %mul3A_54, %add3A_55 : i32
      %dma_wait3A_57 = arith.constant 0 : i32
      %dma_wait3A_58 = tpu.memref_slice %arg5[%add3A_56, %dma_wait3A_57] : memref<200x32xi32, #tpu.memory_space<vmem>> -> memref<1x32xi32, #tpu.memory_space<vmem>>
      %dma_wait3A_59 = tpu.memref_squeeze %dma_wait3A_58 : memref<1x32xi32, #tpu.memory_space<vmem>> -> memref<32xi32, #tpu.memory_space<vmem>>
      %dma_wait3A_60 = arith.constant 0 : i32
      %dma_wait3A_61 = arith.constant 0 : i32
      %dma_wait3A_62 = tpu.memref_slice %arg3[%dma_wait3A_60, %dma_wait3A_61] : memref<6147x896xf32, #tpu.memory_space<hbm>> -> memref<6147x896xf32, #tpu.memory_space<hbm>>
      tpu.wait_indirect_dma semaphore(%arg9 : memref<!tpu.dma_semaphore, #tpu.memory_space<semaphore_mem>>) src(%dma_wait3A_62 : memref<6147x896xf32, #tpu.memory_space<hbm>>) dst(%arg6 : memref<32x896xf32, #tpu.memory_space<vmem>>)
      %mul3A_63 = arith.constant 32 : i32
      %mul3A_64 = arith.muli %add3A_56, %mul3A_63 : i32
      %add3A_65 = arith.addi %mul3A_2, %mul3A_64 : i32
      "tpu.region"() ({
        %run_scoped3A = tpu.sem_alloc : memref<!tpu.dma_semaphore, #tpu.memory_space<semaphore_mem>>
        %dma_start3A_117 = arith.constant 0 : i32
        %dma_start3A_118 = tpu.memref_slice %arg4[%add3A_65, %dma_start3A_117] : memref<204800x896xf32, #tpu.memory_space<hbm>> -> memref<32x896xf32, #tpu.memory_space<hbm>>
        %dma_start3A_119 = arith.constant 0 : i32
        %dma_start3A_120 = tpu.memref_slice %arg4[%add3A_65, %dma_start3A_119] : memref<204800x896xf32, #tpu.memory_space<hbm>> -> memref<32x896xf32, #tpu.memory_space<hbm>>
        tpu.enqueue_dma source(%arg6 : memref<32x896xf32, #tpu.memory_space<vmem>>) target(%dma_start3A_120 : memref<32x896xf32, #tpu.memory_space<hbm>>) target_semaphore(%run_scoped3A : memref<!tpu.dma_semaphore, #tpu.memory_space<semaphore_mem>>)
        %dma_wait3A_121 = arith.constant 0 : i32
        %dma_wait3A_122 = tpu.memref_slice %arg4[%add3A_65, %dma_wait3A_121] : memref<204800x896xf32, #tpu.memory_space<hbm>> -> memref<32x896xf32, #tpu.memory_space<hbm>>
        %dma_wait3A_123 = arith.constant 0 : i32
        %dma_wait3A_124 = tpu.memref_slice %arg4[%add3A_65, %dma_wait3A_123] : memref<204800x896xf32, #tpu.memory_space<hbm>> -> memref<32x896xf32, #tpu.memory_space<hbm>>
        tpu.wait_dma2 semaphore(%run_scoped3A : memref<!tpu.dma_semaphore, #tpu.memory_space<semaphore_mem>>) src(%arg6 : memref<32x896xf32, #tpu.memory_space<vmem>>) dst(%dma_wait3A_124 : memref<32x896xf32, #tpu.memory_space<hbm>>)
        tpu.yield
      }) : () -> ()
      %add3A_66 = arith.constant 3 : i32
      %add3A_67 = arith.addi %add3A_56, %add3A_66 : i32
      %min3A = arith.constant 199 : i32
      %min3A_68 = arith.minsi %add3A_67, %min3A : i32
      %dma_start3A_69 = arith.constant 0 : i32
      %dma_start3A_70 = tpu.memref_slice %arg5[%min3A_68, %dma_start3A_69] : memref<200x32xi32, #tpu.memory_space<vmem>> -> memref<1x32xi32, #tpu.memory_space<vmem>>
      %dma_start3A_71 = tpu.memref_squeeze %dma_start3A_70 : memref<1x32xi32, #tpu.memory_space<vmem>> -> memref<32xi32, #tpu.memory_space<vmem>>
      %dma_start3A_72 = arith.constant 0 : i32
      %dma_start3A_73 = arith.constant 0 : i32
      %dma_start3A_74 = tpu.memref_slice %arg3[%dma_start3A_72, %dma_start3A_73] : memref<6147x896xf32, #tpu.memory_space<hbm>> -> memref<6147x896xf32, #tpu.memory_space<hbm>>
      tpu.enqueue_indirect_dma source(%dma_start3A_74 : memref<6147x896xf32, #tpu.memory_space<hbm>>) target(%arg6 : memref<32x896xf32, #tpu.memory_space<vmem>>) offsets(%dma_start3A_71 : memref<32xi32, #tpu.memory_space<vmem>>) semaphore(%arg9 : memref<!tpu.dma_semaphore, #tpu.memory_space<semaphore_mem>>)
      %add3A_75 = arith.constant 1 : i32
      %add3A_76 = arith.addi %mul3A_54, %add3A_75 : i32
      %dma_wait3A_77 = arith.constant 0 : i32
      %dma_wait3A_78 = tpu.memref_slice %arg5[%add3A_76, %dma_wait3A_77] : memref<200x32xi32, #tpu.memory_space<vmem>> -> memref<1x32xi32, #tpu.memory_space<vmem>>
      %dma_wait3A_79 = tpu.memref_squeeze %dma_wait3A_78 : memref<1x32xi32, #tpu.memory_space<vmem>> -> memref<32xi32, #tpu.memory_space<vmem>>
      %dma_wait3A_80 = arith.constant 0 : i32
      %dma_wait3A_81 = arith.constant 0 : i32
      %dma_wait3A_82 = tpu.memref_slice %arg3[%dma_wait3A_80, %dma_wait3A_81] : memref<6147x896xf32, #tpu.memory_space<hbm>> -> memref<6147x896xf32, #tpu.memory_space<hbm>>
      tpu.wait_indirect_dma semaphore(%arg10 : memref<!tpu.dma_semaphore, #tpu.memory_space<semaphore_mem>>) src(%dma_wait3A_82 : memref<6147x896xf32, #tpu.memory_space<hbm>>) dst(%arg7 : memref<32x896xf32, #tpu.memory_space<vmem>>)
      %mul3A_83 = arith.constant 32 : i32
      %mul3A_84 = arith.muli %add3A_76, %mul3A_83 : i32
      %add3A_85 = arith.addi %mul3A_2, %mul3A_84 : i32
      "tpu.region"() ({
        %run_scoped3A = tpu.sem_alloc : memref<!tpu.dma_semaphore, #tpu.memory_space<semaphore_mem>>
        %dma_start3A_117 = arith.constant 0 : i32
        %dma_start3A_118 = tpu.memref_slice %arg4[%add3A_85, %dma_start3A_117] : memref<204800x896xf32, #tpu.memory_space<hbm>> -> memref<32x896xf32, #tpu.memory_space<hbm>>
        %dma_start3A_119 = arith.constant 0 : i32
        %dma_start3A_120 = tpu.memref_slice %arg4[%add3A_85, %dma_start3A_119] : memref<204800x896xf32, #tpu.memory_space<hbm>> -> memref<32x896xf32, #tpu.memory_space<hbm>>
        tpu.enqueue_dma source(%arg7 : memref<32x896xf32, #tpu.memory_space<vmem>>) target(%dma_start3A_120 : memref<32x896xf32, #tpu.memory_space<hbm>>) target_semaphore(%run_scoped3A : memref<!tpu.dma_semaphore, #tpu.memory_space<semaphore_mem>>)
        %dma_wait3A_121 = arith.constant 0 : i32
        %dma_wait3A_122 = tpu.memref_slice %arg4[%add3A_85, %dma_wait3A_121] : memref<204800x896xf32, #tpu.memory_space<hbm>> -> memref<32x896xf32, #tpu.memory_space<hbm>>
        %dma_wait3A_123 = arith.constant 0 : i32
        %dma_wait3A_124 = tpu.memref_slice %arg4[%add3A_85, %dma_wait3A_123] : memref<204800x896xf32, #tpu.memory_space<hbm>> -> memref<32x896xf32, #tpu.memory_space<hbm>>
        tpu.wait_dma2 semaphore(%run_scoped3A : memref<!tpu.dma_semaphore, #tpu.memory_space<semaphore_mem>>) src(%arg7 : memref<32x896xf32, #tpu.memory_space<vmem>>) dst(%dma_wait3A_124 : memref<32x896xf32, #tpu.memory_space<hbm>>)
        tpu.yield
      }) : () -> ()
      %add3A_86 = arith.constant 3 : i32
      %add3A_87 = arith.addi %add3A_76, %add3A_86 : i32
      %min3A_88 = arith.constant 199 : i32
      %min3A_89 = arith.minsi %add3A_87, %min3A_88 : i32
      %dma_start3A_90 = arith.constant 0 : i32
      %dma_start3A_91 = tpu.memref_slice %arg5[%min3A_89, %dma_start3A_90] : memref<200x32xi32, #tpu.memory_space<vmem>> -> memref<1x32xi32, #tpu.memory_space<vmem>>
      %dma_start3A_92 = tpu.memref_squeeze %dma_start3A_91 : memref<1x32xi32, #tpu.memory_space<vmem>> -> memref<32xi32, #tpu.memory_space<vmem>>
      %dma_start3A_93 = arith.constant 0 : i32
      %dma_start3A_94 = arith.constant 0 : i32
      %dma_start3A_95 = tpu.memref_slice %arg3[%dma_start3A_93, %dma_start3A_94] : memref<6147x896xf32, #tpu.memory_space<hbm>> -> memref<6147x896xf32, #tpu.memory_space<hbm>>
      tpu.enqueue_indirect_dma source(%dma_start3A_95 : memref<6147x896xf32, #tpu.memory_space<hbm>>) target(%arg7 : memref<32x896xf32, #tpu.memory_space<vmem>>) offsets(%dma_start3A_92 : memref<32xi32, #tpu.memory_space<vmem>>) semaphore(%arg10 : memref<!tpu.dma_semaphore, #tpu.memory_space<semaphore_mem>>)
      %add3A_96 = arith.constant 2 : i32
      %add3A_97 = arith.addi %mul3A_54, %add3A_96 : i32
      %dma_wait3A_98 = arith.constant 0 : i32
      %dma_wait3A_99 = tpu.memref_slice %arg5[%add3A_97, %dma_wait3A_98] : memref<200x32xi32, #tpu.memory_space<vmem>> -> memref<1x32xi32, #tpu.memory_space<vmem>>
      %dma_wait3A_100 = tpu.memref_squeeze %dma_wait3A_99 : memref<1x32xi32, #tpu.memory_space<vmem>> -> memref<32xi32, #tpu.memory_space<vmem>>
      %dma_wait3A_101 = arith.constant 0 : i32
      %dma_wait3A_102 = arith.constant 0 : i32
      %dma_wait3A_103 = tpu.memref_slice %arg3[%dma_wait3A_101, %dma_wait3A_102] : memref<6147x896xf32, #tpu.memory_space<hbm>> -> memref<6147x896xf32, #tpu.memory_space<hbm>>
      tpu.wait_indirect_dma semaphore(%arg11 : memref<!tpu.dma_semaphore, #tpu.memory_space<semaphore_mem>>) src(%dma_wait3A_103 : memref<6147x896xf32, #tpu.memory_space<hbm>>) dst(%arg8 : memref<32x896xf32, #tpu.memory_space<vmem>>)
      %mul3A_104 = arith.constant 32 : i32
      %mul3A_105 = arith.muli %add3A_97, %mul3A_104 : i32
      %add3A_106 = arith.addi %mul3A_2, %mul3A_105 : i32
      "tpu.region"() ({
        %run_scoped3A = tpu.sem_alloc : memref<!tpu.dma_semaphore, #tpu.memory_space<semaphore_mem>>
        %dma_start3A_117 = arith.constant 0 : i32
        %dma_start3A_118 = tpu.memref_slice %arg4[%add3A_106, %dma_start3A_117] : memref<204800x896xf32, #tpu.memory_space<hbm>> -> memref<32x896xf32, #tpu.memory_space<hbm>>
        %dma_start3A_119 = arith.constant 0 : i32
        %dma_start3A_120 = tpu.memref_slice %arg4[%add3A_106, %dma_start3A_119] : memref<204800x896xf32, #tpu.memory_space<hbm>> -> memref<32x896xf32, #tpu.memory_space<hbm>>
        tpu.enqueue_dma source(%arg8 : memref<32x896xf32, #tpu.memory_space<vmem>>) target(%dma_start3A_120 : memref<32x896xf32, #tpu.memory_space<hbm>>) target_semaphore(%run_scoped3A : memref<!tpu.dma_semaphore, #tpu.memory_space<semaphore_mem>>)
        %dma_wait3A_121 = arith.constant 0 : i32
        %dma_wait3A_122 = tpu.memref_slice %arg4[%add3A_106, %dma_wait3A_121] : memref<204800x896xf32, #tpu.memory_space<hbm>> -> memref<32x896xf32, #tpu.memory_space<hbm>>
        %dma_wait3A_123 = arith.constant 0 : i32
        %dma_wait3A_124 = tpu.memref_slice %arg4[%add3A_106, %dma_wait3A_123] : memref<204800x896xf32, #tpu.memory_space<hbm>> -> memref<32x896xf32, #tpu.memory_space<hbm>>
        tpu.wait_dma2 semaphore(%run_scoped3A : memref<!tpu.dma_semaphore, #tpu.memory_space<semaphore_mem>>) src(%arg8 : memref<32x896xf32, #tpu.memory_space<vmem>>) dst(%dma_wait3A_124 : memref<32x896xf32, #tpu.memory_space<hbm>>)
        tpu.yield
      }) : () -> ()
      %add3A_107 = arith.constant 3 : i32
      %add3A_108 = arith.addi %add3A_97, %add3A_107 : i32
      %min3A_109 = arith.constant 199 : i32
      %min3A_110 = arith.minsi %add3A_108, %min3A_109 : i32
      %dma_start3A_111 = arith.constant 0 : i32
      %dma_start3A_112 = tpu.memref_slice %arg5[%min3A_110, %dma_start3A_111] : memref<200x32xi32, #tpu.memory_space<vmem>> -> memref<1x32xi32, #tpu.memory_space<vmem>>
      %dma_start3A_113 = tpu.memref_squeeze %dma_start3A_112 : memref<1x32xi32, #tpu.memory_space<vmem>> -> memref<32xi32, #tpu.memory_space<vmem>>
      %dma_start3A_114 = arith.constant 0 : i32
      %dma_start3A_115 = arith.constant 0 : i32
      %dma_start3A_116 = tpu.memref_slice %arg3[%dma_start3A_114, %dma_start3A_115] : memref<6147x896xf32, #tpu.memory_space<hbm>> -> memref<6147x896xf32, #tpu.memory_space<hbm>>
      tpu.enqueue_indirect_dma source(%dma_start3A_116 : memref<6147x896xf32, #tpu.memory_space<hbm>>) target(%arg8 : memref<32x896xf32, #tpu.memory_space<vmem>>) offsets(%dma_start3A_113 : memref<32xi32, #tpu.memory_space<vmem>>) semaphore(%arg11 : memref<!tpu.dma_semaphore, #tpu.memory_space<semaphore_mem>>)
    }
    %scan3A_27 = arith.constant 66 : i32
    %dma_wait3A = arith.constant 199 : i32
    %dma_wait3A_28 = arith.constant 0 : i32
    %dma_wait3A_29 = tpu.memref_slice %arg5[%dma_wait3A, %dma_wait3A_28] : memref<200x32xi32, #tpu.memory_space<vmem>> -> memref<1x32xi32, #tpu.memory_space<vmem>>
    %dma_wait3A_30 = tpu.memref_squeeze %dma_wait3A_29 : memref<1x32xi32, #tpu.memory_space<vmem>> -> memref<32xi32, #tpu.memory_space<vmem>>
    %dma_wait3A_31 = arith.constant 0 : i32
    %dma_wait3A_32 = arith.constant 0 : i32
    %dma_wait3A_33 = tpu.memref_slice %arg3[%dma_wait3A_31, %dma_wait3A_32] : memref<6147x896xf32, #tpu.memory_space<hbm>> -> memref<6147x896xf32, #tpu.memory_space<hbm>>
    tpu.wait_indirect_dma semaphore(%arg9 : memref<!tpu.dma_semaphore, #tpu.memory_space<semaphore_mem>>) src(%dma_wait3A_33 : memref<6147x896xf32, #tpu.memory_space<hbm>>) dst(%arg6 : memref<32x896xf32, #tpu.memory_space<vmem>>)
    %add3A_34 = arith.constant 6336 : i32
    %add3A_35 = arith.addi %mul3A_2, %add3A_34 : i32
    "tpu.region"() ({
      %run_scoped3A = tpu.sem_alloc : memref<!tpu.dma_semaphore, #tpu.memory_space<semaphore_mem>>
      %dma_start3A_52 = arith.constant 0 : i32
      %dma_start3A_53 = tpu.memref_slice %arg4[%add3A_35, %dma_start3A_52] : memref<204800x896xf32, #tpu.memory_space<hbm>> -> memref<32x896xf32, #tpu.memory_space<hbm>>
      %dma_start3A_54 = arith.constant 0 : i32
      %dma_start3A_55 = tpu.memref_slice %arg4[%add3A_35, %dma_start3A_54] : memref<204800x896xf32, #tpu.memory_space<hbm>> -> memref<32x896xf32, #tpu.memory_space<hbm>>
      tpu.enqueue_dma source(%arg6 : memref<32x896xf32, #tpu.memory_space<vmem>>) target(%dma_start3A_55 : memref<32x896xf32, #tpu.memory_space<hbm>>) target_semaphore(%run_scoped3A : memref<!tpu.dma_semaphore, #tpu.memory_space<semaphore_mem>>)
      %dma_wait3A_56 = arith.constant 0 : i32
      %dma_wait3A_57 = tpu.memref_slice %arg4[%add3A_35, %dma_wait3A_56] : memref<204800x896xf32, #tpu.memory_space<hbm>> -> memref<32x896xf32, #tpu.memory_space<hbm>>
      %dma_wait3A_58 = arith.constant 0 : i32
      %dma_wait3A_59 = tpu.memref_slice %arg4[%add3A_35, %dma_wait3A_58] : memref<204800x896xf32, #tpu.memory_space<hbm>> -> memref<32x896xf32, #tpu.memory_space<hbm>>
      tpu.wait_dma2 semaphore(%run_scoped3A : memref<!tpu.dma_semaphore, #tpu.memory_space<semaphore_mem>>) src(%arg6 : memref<32x896xf32, #tpu.memory_space<vmem>>) dst(%dma_wait3A_59 : memref<32x896xf32, #tpu.memory_space<hbm>>)
      tpu.yield
    }) : () -> ()
    %dma_wait3A_36 = arith.constant 199 : i32
    %dma_wait3A_37 = arith.constant 0 : i32
    %dma_wait3A_38 = tpu.memref_slice %arg5[%dma_wait3A_36, %dma_wait3A_37] : memref<200x32xi32, #tpu.memory_space<vmem>> -> memref<1x32xi32, #tpu.memory_space<vmem>>
    %dma_wait3A_39 = tpu.memref_squeeze %dma_wait3A_38 : memref<1x32xi32, #tpu.memory_space<vmem>> -> memref<32xi32, #tpu.memory_space<vmem>>
    %dma_wait3A_40 = arith.constant 0 : i32
    %dma_wait3A_41 = arith.constant 0 : i32
    %dma_wait3A_42 = tpu.memref_slice %arg3[%dma_wait3A_40, %dma_wait3A_41] : memref<6147x896xf32, #tpu.memory_space<hbm>> -> memref<6147x896xf32, #tpu.memory_space<hbm>>
    tpu.wait_indirect_dma semaphore(%arg10 : memref<!tpu.dma_semaphore, #tpu.memory_space<semaphore_mem>>) src(%dma_wait3A_42 : memref<6147x896xf32, #tpu.memory_space<hbm>>) dst(%arg7 : memref<32x896xf32, #tpu.memory_space<vmem>>)
    %add3A_43 = arith.constant 6368 : i32
    %add3A_44 = arith.addi %mul3A_2, %add3A_43 : i32
    "tpu.region"() ({
      %run_scoped3A = tpu.sem_alloc : memref<!tpu.dma_semaphore, #tpu.memory_space<semaphore_mem>>
      %dma_start3A_52 = arith.constant 0 : i32
      %dma_start3A_53 = tpu.memref_slice %arg4[%add3A_44, %dma_start3A_52] : memref<204800x896xf32, #tpu.memory_space<hbm>> -> memref<32x896xf32, #tpu.memory_space<hbm>>
      %dma_start3A_54 = arith.constant 0 : i32
      %dma_start3A_55 = tpu.memref_slice %arg4[%add3A_44, %dma_start3A_54] : memref<204800x896xf32, #tpu.memory_space<hbm>> -> memref<32x896xf32, #tpu.memory_space<hbm>>
      tpu.enqueue_dma source(%arg7 : memref<32x896xf32, #tpu.memory_space<vmem>>) target(%dma_start3A_55 : memref<32x896xf32, #tpu.memory_space<hbm>>) target_semaphore(%run_scoped3A : memref<!tpu.dma_semaphore, #tpu.memory_space<semaphore_mem>>)
      %dma_wait3A_56 = arith.constant 0 : i32
      %dma_wait3A_57 = tpu.memref_slice %arg4[%add3A_44, %dma_wait3A_56] : memref<204800x896xf32, #tpu.memory_space<hbm>> -> memref<32x896xf32, #tpu.memory_space<hbm>>
      %dma_wait3A_58 = arith.constant 0 : i32
      %dma_wait3A_59 = tpu.memref_slice %arg4[%add3A_44, %dma_wait3A_58] : memref<204800x896xf32, #tpu.memory_space<hbm>> -> memref<32x896xf32, #tpu.memory_space<hbm>>
      tpu.wait_dma2 semaphore(%run_scoped3A : memref<!tpu.dma_semaphore, #tpu.memory_space<semaphore_mem>>) src(%arg7 : memref<32x896xf32, #tpu.memory_space<vmem>>) dst(%dma_wait3A_59 : memref<32x896xf32, #tpu.memory_space<hbm>>)
      tpu.yield
    }) : () -> ()
    %dma_wait3A_45 = arith.constant 199 : i32
    %dma_wait3A_46 = arith.constant 0 : i32
    %dma_wait3A_47 = tpu.memref_slice %arg5[%dma_wait3A_45, %dma_wait3A_46] : memref<200x32xi32, #tpu.memory_space<vmem>> -> memref<1x32xi32, #tpu.memory_space<vmem>>
    %dma_wait3A_48 = tpu.memref_squeeze %dma_wait3A_47 : memref<1x32xi32, #tpu.memory_space<vmem>> -> memref<32xi32, #tpu.memory_space<vmem>>
    %dma_wait3A_49 = arith.constant 0 : i32
    %dma_wait3A_50 = arith.constant 0 : i32
    %dma_wait3A_51 = tpu.memref_slice %arg3[%dma_wait3A_49, %dma_wait3A_50] : memref<6147x896xf32, #tpu.memory_space<hbm>> -> memref<6147x896xf32, #tpu.memory_space<hbm>>
    tpu.wait_indirect_dma semaphore(%arg11 : memref<!tpu.dma_semaphore, #tpu.memory_space<semaphore_mem>>) src(%dma_wait3A_51 : memref<6147x896xf32, #tpu.memory_space<hbm>>) dst(%arg8 : memref<32x896xf32, #tpu.memory_space<vmem>>)
    return
  }
}

</mosaic_0001>

<sc_bundles>
// kernel: kernel.3.cloned.1.call-start
scs
__scs_entry_jumppad:
0x0: {  	(pc) =	sbr.rel $0x88, $3  }
0x1: {  	(tag) =	ssettag $0x0;
	lr =	simm.s32 $0x1  }
0x2: {  	[smem:$0x3F9F] =	sst lr;
	_ =	strace $0xD0000000  }
0x3: {  	_ = 	snop  }
0x4: {  	_ = 	snop  }
0x5: {  	_ = 	snop  }
0x6: {  	_ = 	snop  }
0x7: {  	_ = 	snop  }
__scs_overlays_trampoline_lowered:
0x8: {  	[smem:$0x3FAE] =	sst s0  }
0x9: {  	[smem:$0x3FAF] =	sst s1  }
0xa: {  	[smem:$0x3FB0] =	sst s2  }
0xb: {  	[smem:$0x3FB1] =	sst s3  }
0xc: {  	[smem:$0x3FB2] =	sst s4  }
0xd: {  	[smem:$0x3FB3] =	sst s5  }
0xe: {  	[smem:$0x3FB4] =	sst s6  }
0xf: {  	[smem:$0x3FB5] =	sst s7  }
0x10: {  	[smem:$0x3FB6] =	sst s8  }
0x11: {  	[smem:$0x3FB7] =	sst s9;
	s0 =	simm.s32 @!p0 $0x0  }
0x12: {  	s1 =	sld [smem:$0x3F9D];
	s0 =	simm.s32 @p0 $0x1  }
0x13: {  	[smem:$0x3FB8] =	sst s0;
	s0 =	simm.s32 @!p1 $0x0  }
0x14: {  	s2 =	sld [smem:$0x3F9C];
	s0 =	simm.s32 @p1 $0x1  }
0x15: {  	[smem:$0x3FB9] =	sst s0;
	s0 =	simm.s32 @!p2 $0x0  }
0x16: {  	s3 =	sld [smem:$0x3FDB];
	s0 =	simm.s32 @p2 $0x1  }
0x17: {  	s4 =	simm.s32 $0x1BF5;
	[smem:$0x3FBB] =	sst s0  }
0x18: {  	s0 =	sld [smem:$0x3F9E];
	_ =	swait.ge [sflag:s4], $0x0  }
0x19: {  	s7 =	sld [smem:$0x3F9F]  }
0x1a: {  	s8 =	sadd.s32 $0xFFFFE003, lr  }
0x1b: {  	s9 =	sadd.s32 $0xFFFFFEF7, lr;
	s5 =	simm.s32 $0xFFFFFFFF;
	p2 =	slt.u32 s8, $0xFFFFF086  }
0x1c: {  	p1 =	slt.u32 s9, $0xF7A;
	s5 =	simm.s32 @!p2 $0x0  }
0x1d: {  	s5 =	simm.s32 @p1 $0x1;
	p0 =	seq.s32 s7, s2  }
0x1e: {  	s7 =	smul.u32 @!p0 $0xF7A, s2;
	p2 =	seq.s32 @!p0 s5, $0x0  }
0x1f: {  	s9 =	smul.u32 $0xF7A, s1;
	s8 =	simm.s32 @!p0 $0x1BF5;
	p2 =	por !p2, p0  }
0x20: {  	[sflag:s8] =	ssyncset.s32 @!p0 $0xFFFFF086;
	s6 =	sadd.s32 @!p0 s3, s7;
	s7 =	simm.s32 @!p0 $0x108  }
0x21: {  	s3 =	sadd.s32 s3, s9;
	s6 =	sadd.s32 @!p0 $0x88, s6;
	s7 =	simm.s32 @p2 $0x1082  }
0x22: {  	[simem:s7], [sflag:s8] =	dma.local @!p0 [hbm:s6], $0xF7A  }
0x23: {  	s9 =	sor.u32 $0xD0000000, s2;
	s6 =	simm.s32 $0x108;
	_ =	swait.ge @!p0 [sflag:s8], $0x0  }
0x24: {  	s3 =	sadd.s32 $0x88, s3;
	s6 =	simm.s32 @!p1 $0x1082;
	[sflag:s4] =	ssyncset.s32 $0xFFFFF086  }
0x25: {  	[simem:s6], [sflag:s4] =	dma.local [hbm:s3], $0xF7A  }
0x26: {  	[smem:$0x3F9F] =	sst s1;
	(tag) =	ssettag s2;
	_ =	strace s9  }
0x27: {  	s1 =	sld [smem:$0x3FAF]  }
0x28: {  	s2 =	sld [smem:$0x3FB0]  }
0x29: {  	s4 =	sld [smem:$0x3FB2]  }
0x2a: {  	p0 =	seq.s32 s5, $0x0;
	s5 =	sld [smem:$0x3FB3]  }
0x2b: {  	s6 =	sld [smem:$0x3FB4]  }
0x2c: {  	s7 =	sld [smem:$0x3FB5]  }
0x2d: {  	s3 =	simm.s32 $0x108;
	s8 =	sld [smem:$0x3FB6]  }
0x2e: {  	s3 =	simm.s32 @!p0 $0x1082;
	s9 =	sld [smem:$0x3FB7]  }
0x2f: {  	lr =	sadd.s32 s0, s3;
	s0 =	sld [smem:$0x3FAE]  }
0x30: {  	s3 =	sld [smem:$0x3FB1]  }
0x31: {  	[smem:$0x3FBA] =	sst s10  }
0x32: {  	s10 =	sld [smem:$0x3FB8];
	_ =	sdelay $0x3  }
0x33: {  	p0 =	seq.s32 s10, $0x1;
	s10 =	sld [smem:$0x3FBA];
	_ =	sdelay $0x3  }
0x34: {  	[smem:$0x3FBA] =	sst s10  }
0x35: {  	s10 =	sld [smem:$0x3FB9];
	_ =	sdelay $0x3  }
0x36: {  	p1 =	seq.s32 s10, $0x1;
	s10 =	sld [smem:$0x3FBA];
	_ =	sdelay $0x3  }
0x37: {  	[smem:$0x3FBA] =	sst s10  }
0x38: {  	s10 =	sld [smem:$0x3FBB]  }
0x39: {  	_ = 	snop;
	(pc) =	sbr.ind lr, $3  }
0x3a: {  	_ = 	snop  }
0x3b: {  	_ = 	snop  }
0x3c: {  	p2 =	seq.s32 s10, $0x1;
	s10 =	sld [smem:$0x3FBA]  }
0x3d: {  	_ =	shalt  }
0x3e: {  	_ =	shalt  }
0x3f: {  	_ =	shalt  }
0x40: {  	_ =	shalt  }
0x41: {  	_ =	shalt  }
0x42: {  	_ =	shalt  }
0x43: {  	_ =	shalt  }
0x44: {  	_ =	shalt  }
0x45: {  	_ =	shalt  }
0x46: {  	_ =	shalt  }
0x47: {  	_ =	shalt  }
0x48: {  	_ =	shalt  }
0x49: {  	_ =	shalt  }
0x4a: {  	_ =	shalt  }
0x4b: {  	_ =	shalt  }
0x4c: {  	_ =	shalt  }
0x4d: {  	_ =	shalt  }
0x4e: {  	_ =	shalt  }
0x4f: {  	_ =	shalt  }
0x50: {  	_ =	shalt  }
0x51: {  	_ =	shalt  }
0x52: {  	_ =	shalt  }
0x53: {  	_ =	shalt  }
0x54: {  	_ =	shalt  }
0x55: {  	_ =	shalt  }
0x56: {  	_ =	shalt  }
0x57: {  	_ =	shalt  }
0x58: {  	_ =	shalt  }
0x59: {  	_ =	shalt  }
0x5a: {  	_ =	shalt  }
0x5b: {  	_ =	shalt  }
0x5c: {  	_ =	shalt  }
0x5d: {  	_ =	shalt  }
0x5e: {  	_ =	shalt  }
0x5f: {  	_ =	shalt  }
0x60: {  	_ =	shalt  }
0x61: {  	_ =	shalt  }
0x62: {  	_ =	shalt  }
0x63: {  	_ =	shalt  }
0x64: {  	_ =	shalt  }
0x65: {  	_ =	shalt  }
0x66: {  	_ =	shalt  }
0x67: {  	_ =	shalt  }
0x68: {  	_ =	shalt  }
0x69: {  	_ =	shalt  }
0x6a: {  	_ =	shalt  }
0x6b: {  	_ =	shalt  }
0x6c: {  	_ =	shalt  }
0x6d: {  	_ =	shalt  }
0x6e: {  	_ =	shalt  }
0x6f: {  	_ =	shalt  }
0x70: {  	_ =	shalt  }
0x71: {  	_ =	shalt  }
0x72: {  	_ =	shalt  }
0x73: {  	_ =	shalt  }
0x74: {  	_ =	shalt  }
0x75: {  	_ =	shalt  }
0x76: {  	_ =	shalt  }
0x77: {  	_ =	shalt  }
0x78: {  	_ =	shalt  }
0x79: {  	_ =	shalt  }
0x7a: {  	_ =	shalt  }
0x7b: {  	_ =	shalt  }
0x7c: {  	_ =	shalt  }
0x7d: {  	_ =	shalt  }
0x7e: {  	_ =	shalt  }
0x7f: {  	_ =	shalt  }
0x80: {  	_ =	shalt  }
0x81: {  	_ =	shalt  }
0x82: {  	_ =	shalt  }
0x83: {  	_ =	shalt  }
0x84: {  	_ =	shalt  }
0x85: {  	_ =	shalt  }
0x86: {  	_ =	shalt  }
0x87: {  	_ =	shalt  }
.Lfunc_end0:
.L_simem_size_0:
called_computation_lowered:
.L_overlay_start_0:
0x88: {  	s2 =	sld [smem:$0x3FD9]  }
0x89: {  	s3 =	sld [smem:$0x3FFE];
	_ =	sdelay $0x1  }
0x8a: {  	s1 =	srdreg.scid  }
0x8b: {  	s0 =	sand.u32 $0x1, s1  }
0x8c: {  	s17 =	sshll.u32 s0, $0xA;
	s2 =	sadd.s32 s3, s2  }
0x8d: {  	s2 =	sadd.s32 s2, s17  }
0x8e: {  	[smem:$0x3FC6] =	sst s2  }
0x8f: {  	_ = 	snop  }
0x90: {  	s2 =	sld [smem:$0x3FC8]  }
0x91: {  	s18 =	sld [smem:$0x3FD0];
	(tm) =	ssettm $0x1  }
0x92: {  	s4 =	sld [smem:$0x3FFB];
	_ =	sdelay $0x3  }
0x93: {  	_ =	strace s4  }
0x94: {  	s4 =	sld [smem:$0x3FFC];
	_ =	sdelay $0x3  }
0x95: {  	_ =	strace s4  }
0x96: {  	s4 =	sld [smem:$0x3FFD];
	_ =	sdelay $0x3  }
0x97: {  	_ =	strace s4  }
0x98: {  	_ =	strace $0x8FFFFFFF  }
0x99: {  	s19 =	sld [smem:$0x3FDB];
	_ =	sdelay $0x1  }
0x9a: {  	s5 =	simm.s32 $_scs_section_size  }
0x9b: {  	s6 =	simm.s32 $_size__tile_overlayer_lowered;
	s7 =	simm.s32 $_tile_overlayer_lowered  }
0x9c: {  	s22 =	simm.s32 $0x1BFF;
	s21 =	sshll.u32 s7, $0x1;
	s4 =	sadd.s32 s5, s19  }
0x9d: {  	s8 =	simm.s32 $0x0;
	s20 =	sshll.u32 s6, $0x1;
	s6 =	sadd.s32 s21, s4  }
0x9e: {  	[timem:s8], [sflag:s22] =	dma.local [hbm:s6], s20  }
0x9f: {  	_ =	swait.ge [sflag:s22], s20  }
0xa0: {  	s5 =	ssub.s32 $0x0, s20;
	[sflag:s22] =	ssyncset.done $0x0  }
0xa1: {  	[sflag:s22] =	ssyncadd.s32 s5;
	_ =	sdelay $0x1  }
0xa2: {  	s23 =	simm.s32 $0x1B8B  }
0xa3: {  	_ =	swait.ge [sflag:s23], $0x1  }
0xa4: {  	[sflag:s23] =	ssyncset.done $0x0  }
0xa5: {  	s25 =	simm.s32 $0x1B8E;
	s24 =	sld [smem:$0x3FFE];
	[sflag:s23] =	ssyncadd.s32 $0xFFFFFFFF  }
0xa6: {  	s26 =	simm.s32 $execute0_lowered;
	[smem:$0x3FD2] =	sst s25  }
0xa7: {  	s6 =	sshll.u32 s26, $0x1;
	_ =	strace $0x80000046;
	[dreg:$0x1] =	wrdreg $0xFFFFFFFF  }
0xa8: {  	s28 =	simm.s32 $_size_execute0_lowered;
	s4 =	sadd.s32 s4, s6;
	[dreg:$0x0] =	wrdreg $0x0  }
0xa9: {  	s6 =	sshll.u32 s28, $0x1;
	[dreg:$0x2] =	wrdreg s4  }
0xaa: {  	[dreg:$0x3] =	wrdreg s6  }
0xab: {  	[dreg:$0x4] =	wrdreg $0xC0  }
0xac: {  	_ =	task [dreg:s8], $0x5FFFF  }
0xad: {  	[dreg:$0x1] =	wrdreg $0xFFFFFFFF  }
0xae: {  	[dreg:$0x0] =	wrdreg $0x60  }
0xaf: {  	[dreg:$0x2] =	wrdreg s24  }
0xb0: {  	[dreg:$0x3] =	wrdreg s2  }
0xb1: {  	[dreg:$0x4] =	wrdreg s18  }
0xb2: {  	[dreg:$0x5] =	wrdreg $0x9  }
0xb3: {  	_ =	task.clear_ibuf [dreg:s8], $0x6FFFF;
	_ =	strace $0x90000046  }
0xb4: {  	s29 =	simm.s32 $0x9;
	_ =	strace $0x80000048  }
0xb5: {  	_ =	swait.ge [sflag:s29], $0x1  }
0xb6: {  	[sflag:s29] =	ssyncadd.s32 $0xFFFFFFFF  }
0xb7: {  	_ =	strace $0x90000048  }
0xb8: {  	_ =	sfence  }
0xb9: {  	s30 =	sld [smem:$0x0];
	_ =	sdelay $0x2  }
0xba: {  	s31 =	sshll.u32 s1, $0xD;
	s1 =	sshrl.u32 s1, $0x2  }
0xbb: {  	s3 =	sand.u32 $0x4000, s31;
	s1 =	sadd.s32 s1, s30  }
0xbc: {  	s0 =	sor.u32 s3, s0;
	s1 =	sshll.u32 s1, $0x11  }
0xbd: {  	s0 =	sor.u32 s1, s0  }
0xbe: {  	s0 =	sadd.s32 $0x8F2B, s0  }
0xbf: {  	[sflag:s0] =	ssyncadd.remote.s32 $0x1  }
0xc0: {  	_ =	sfence.sel $0xFFFF  }
0xc1: {  	[dreg:$0x0] =	wrdreg $0xFFFFFFFF;
	(pc) =	sbr.abs _section_cstart, $3  }
0xc2: {  	[dreg:$0x1] =	wrdreg $0xFFFFFFFF  }
0xc3: {  	_ =	task.clear_ibuf [dreg:s8], $0x2FFFF;
	_ =	strace $0x9FFFFFFF  }
0xc4: {  	(tm) =	ssettm $0x7FFFFFFF  }
0xc5: {  	_ =	shalt  }
tec
execute0_lowered:
.L_overlay_start_1:
0x0: {  	(tag) =	ssettag $0x1  }
0x1: {  	s0 =	rddreg [dreg:$0x0]  }
0x2: {  	s1 =	srdreg.scid;
	s2 =	rddreg [dreg:$0x1]  }
0x3: {  	s8 =	stileid.u32;
	s4 =	rddreg [dreg:$0x2];
	s14 =	simm.s32 $0x4  }
0x4: {  	s12 =	simm.s32 $0xC000;
	s13 =	simm.s32 $0xC800;
	s15 =	simm.s32 $0xD000  }
0x5: {  	s31 =	simm.s32 $0xD400;
	s28 =	simm.s32 $0xDC00;
	s29 =	simm.s32 $0xE400  }
0x6: {  	s30 =	simm.s32 $0xEC00;
	s16 =	simm.s32 $0x1;
	s17 =	simm.s32 $0x2  }
0x7: {  	s1 =	sand.u32 $0x1, s1;
	s3 =	sshll.u32 s8, $0x1;
	s8 =	smul.u32 $0x3200, s8  }
0x8: {  	s5 =	sor.u32 s1, s3;
	s7 =	ssub.s32 $0x2, s1;
	s1 =	smul.u32 $0x1900, s1  }
0x9: {  	s18 =	simm.s32 $0x3;
	s3 =	simm.s32 $0x0;
	s6 =	smul.u32 $0xC80, s5  }
0xa: {  	[smem:$0x7FF] =	sst s3;
	s9 =	sshrl.u32 s7, $0x1;
	s19 =	smul.u32 $0x1900, s5  }
0xb: {  	s5 =	sadd.s32 $0x100, s2;
	_ =	strace $0x80000047;
	s9 =	ssub.s32 s7, s9  }
0xc: {  	s20 =	sadd.s32 s1, s8;
	s7 =	sadd.s32 $0x300, s2;
	s0 =	sadd.s32 s6, s0  }
0xd: {  	s6 =	sadd.s32 $0x200, s2;
	s21 =	sshrl.u32 s19, $0x3;
	s22 =	sor.u32 $0x40, s20  }
0xe: {  	s10 =	sor.u32 $0x20, s20;
	s24 =	smax.u32 s9, $0x1;
	s9 =	simm.s32 $0xAC00  }
0xf: {  	s19 =	simm.s32 $0x0;
	s0 =	sadd.s32 $0x400, s0;
	s1 =	smul.u32 $0x380, s21  }
0x10: {  	s23 =	sshrl.u32 s22, $0x3;
	s10 =	sshrl.u32 s10, $0x3;
	[dreg:$0x7] =	wrdreg s24  }
0x11: {  	s21 =	simm.s32 $0x7C00;
	s22 =	simm.s32 $0x8000;
	[dreg:$0xb] =	wrdreg s19  }
0x12: {  	s24 =	simm.s32 $0x8800;
	[dreg:$0x4] =	wrdreg s0;
	s8 =	smul.u32 $0x380, s23  }
0x13: {  	s10 =	smul.u32 $0x380, s10;
	s0 =	sshrl.u32 s20, $0x3;
	s1 =	sadd.s32 s4, s1  }
0x14: {  	s20 =	simm.s32 $0x7400;
	s23 =	simm.s32 $0x14400;
	s11 =	sadd.s32 $0xAD400, s1  }
0x15: {  	s0 =	smul.u32 $0x380, s0;
	s1 =	sadd.s32 $0xAE200, s1;
	[dreg:$0x5] =	wrdreg s11  }
0x16: {  	s25 =	sadd.s32 s8, s4;
	s26 =	sadd.s32 s10, s4;
	[dreg:$0x6] =	wrdreg s1  }
0x17: {  	s8 =	simm.s32 $0xA400;
	s10 =	simm.s32 $0xB400;
	[dreg:$0x8] =	wrdreg s25  }
0x18: {  	v2 =	vlaneseq.u32;
	[dreg:$0x9] =	wrdreg s26;
	s0 =	sadd.s32 s0, s4;
	s1 =	simm.s32 $0x6400  }
0x19: {  	vm0 =	vmmov $0xffff;
	vm1 =	vmmov $0xff;
	v1 =	vshrl.u32 v2, $0x3;
	s25 =	simm.s32 $0x6C00;
	s26 =	simm.s32 $0x9000;
	s4 =	simm.s32 $0x9C00  }
0x1a: {  	v0 =	vand.u32 $0x7, v2;
	v2 =	vor.u32 $0x8, v2;
	v1 =	vmul.u32 $0x8, v1;
	s11 =	simm.s32 $0xB800;
	[dreg:$0xa] =	wrdreg s0;
	s0 =	simm.s32 $0x9800  }
.LBB2_1:
0x1b: {  	s19 =	rddreg [dreg:$0x4]  }
0x1c: {  	[tilespmem:s3], [sflag:$0x4] =	stream.linear.gather [hbm4b:s19+s3], $0x6400, $0x38;
	[tilespmem:$0x1B400] =	vst v63  }
0x1d: {  	_ =	swait.ge [sflag:s14], $0x6400  }
0x1e: {  	[sflag:s14] =	ssyncset.done $0x0  }
0x1f: {  	[sflag:s14] =	ssyncadd.s32 $0xFFFF9C00  }
0x20: {  	v3 =	vld [tilespmem:$0x0];
	_ =	sdelay $0x4  }
0x21: {  	v4 =	vshrl.u32 v3, $0x3  }
0x22: {  	v4 =	vmul.u32 $0x38, v4  }
0x23: {  	v3 =	vand.u32 $0x7, v3  }
0x24: {  	v3 =	vor.u32 v3, v4  }
0x25: {  	v4 =	vperm.xlane v3, v0;
	_ =	sdelay $0x1  }
0x26: {  	v4 =	vadd.s32 v1, v4;
	_ =	sdelay $0x4  }
0x27: {  	[tilespmem:s1], [sflag:$0x1] =	stream.indirect_vreg.gather [hbm4b:s2+s3], $0x80, v4, vm0, $0xb8;
	[tilespmem:$0x1B400] =	vst v63  }
0x28: {  	v3 =	vperm.xlane v3, v2  }
0x29: {  	[tilespmem:s25], [sflag:$0x1] =	stream.indirect_vreg.gather [hbm4b:s5+s3], $0x80, v4, vm0, $0xb8;
	[tilespmem:$0x1B400] =	vst v63  }
0x2a: {  	v3 =	vadd.s32 v1, v3  }
0x2b: {  	[tilespmem:s20], [sflag:$0x1] =	stream.indirect_vreg.gather [hbm4b:s6+s3], $0x80, v4, vm0, $0xb8;
	[tilespmem:$0x1B400] =	vst v63  }
0x2c: {  	_ = 	snop  }
0x2d: {  	[tilespmem:s21], [sflag:$0x1] =	stream.indirect_vreg.gather [hbm4b:s7+s3], $0x80, v4, vm1, $0xb8;
	[tilespmem:$0x1B400] =	vst v63  }
0x2e: {  	_ = 	snop  }
0x2f: {  	[tilespmem:s22], [sflag:$0x1] =	stream.indirect_vreg.gather [hbm4b:s2+s3], $0x80, v3, vm0, $0xb8;
	[tilespmem:$0x1B400] =	vst v63  }
0x30: {  	_ = 	snop  }
0x31: {  	[tilespmem:s24], [sflag:$0x1] =	stream.indirect_vreg.gather [hbm4b:s5+s3], $0x80, v3, vm0, $0xb8;
	[tilespmem:$0x1B400] =	vst v63  }
0x32: {  	_ = 	snop  }
0x33: {  	[tilespmem:s26], [sflag:$0x1] =	stream.indirect_vreg.gather [hbm4b:s6+s3], $0x80, v3, vm0, $0xb8;
	[tilespmem:$0x1B400] =	vst v63  }
0x34: {  	_ = 	snop  }
0x35: {  	[tilespmem:s0], [sflag:$0x1] =	stream.indirect_vreg.gather [hbm4b:s7+s3], $0x80, v3, vm1, $0xb8;
	[tilespmem:$0x1B400] =	vst v63  }
0x36: {  	v3 =	vld [tilespmem:$0x10];
	_ =	sdelay $0x4  }
0x37: {  	v59 =	vshrl.u32 v3, $0x3  }
0x38: {  	v4 =	vmul.u32 $0x38, v59  }
0x39: {  	v3 =	vand.u32 $0x7, v3  }
0x3a: {  	v3 =	vor.u32 v3, v4  }
0x3b: {  	v4 =	vperm.xlane v3, v0;
	_ =	sdelay $0x1  }
0x3c: {  	v4 =	vadd.s32 v1, v4;
	_ =	sdelay $0x4  }
0x3d: {  	[tilespmem:s4], [sflag:$0x1] =	stream.indirect_vreg.gather [hbm4b:s2+s3], $0x80, v4, vm0, $0xb8;
	[tilespmem:$0x1B400] =	vst v63  }
0x3e: {  	v3 =	vperm.xlane v3, v2  }
0x3f: {  	[tilespmem:s8], [sflag:$0x1] =	stream.indirect_vreg.gather [hbm4b:s5+s3], $0x80, v4, vm0, $0xb8;
	[tilespmem:$0x1B400] =	vst v63  }
0x40: {  	v3 =	vadd.s32 v1, v3  }
0x41: {  	[tilespmem:s9], [sflag:$0x1] =	stream.indirect_vreg.gather [hbm4b:s6+s3], $0x80, v4, vm0, $0xb8;
	[tilespmem:$0x1B400] =	vst v63  }
0x42: {  	_ = 	snop  }
0x43: {  	[tilespmem:s10], [sflag:$0x1] =	stream.indirect_vreg.gather [hbm4b:s7+s3], $0x80, v4, vm1, $0xb8;
	[tilespmem:$0x1B400] =	vst v63  }
0x44: {  	_ = 	snop  }
0x45: {  	[tilespmem:s11], [sflag:$0x1] =	stream.indirect_vreg.gather [hbm4b:s2+s3], $0x80, v3, vm0, $0xb8;
	[tilespmem:$0x1B400] =	vst v63  }
0x46: {  	_ = 	snop  }
0x47: {  	[tilespmem:s12], [sflag:$0x1] =	stream.indirect_vreg.gather [hbm4b:s5+s3], $0x80, v3, vm0, $0xb8;
	[tilespmem:$0x1B400] =	vst v63  }
0x48: {  	_ = 	snop  }
0x49: {  	[tilespmem:s13], [sflag:$0x1] =	stream.indirect_vreg.gather [hbm4b:s6+s3], $0x80, v3, vm0, $0xb8;
	[tilespmem:$0x1B400] =	vst v63  }
0x4a: {  	_ = 	snop  }
0x4b: {  	[tilespmem:s15], [sflag:$0x1] =	stream.indirect_vreg.gather [hbm4b:s7+s3], $0x80, v3, vm1, $0xb8;
	[tilespmem:$0x1B400] =	vst v63  }
0x4c: {  	v3 =	vld [tilespmem:$0x80];
	_ =	sdelay $0x4  }
0x4d: {  	v60 =	vshrl.u32 v3, $0x3  }
0x4e: {  	v4 =	vmul.u32 $0x38, v60  }
0x4f: {  	v3 =	vand.u32 $0x7, v3  }
0x50: {  	v3 =	vor.u32 v3, v4  }
0x51: {  	v4 =	vperm.xlane v3, v0;
	_ =	sdelay $0x1  }
0x52: {  	v4 =	vadd.s32 v1, v4;
	_ =	sdelay $0x4  }
0x53: {  	[tilespmem:s31], [sflag:$0x2] =	stream.indirect_vreg.gather [hbm4b:s2+s3], $0x80, v4, vm0, $0xb8;
	[tilespmem:$0x1B400] =	vst v63  }
0x54: {  	v3 =	vperm.xlane v3, v2  }
0x55: {  	[tilespmem:s28], [sflag:$0x2] =	stream.indirect_vreg.gather [hbm4b:s5+s3], $0x80, v4, vm0, $0xb8;
	[tilespmem:$0x1B400] =	vst v63  }
0x56: {  	v3 =	vadd.s32 v1, v3  }
0x57: {  	[tilespmem:s29], [sflag:$0x2] =	stream.indirect_vreg.gather [hbm4b:s6+s3], $0x80, v4, vm0, $0xb8;
	[tilespmem:$0x1B400] =	vst v63  }
0x58: {  	_ = 	snop  }
0x59: {  	[tilespmem:s30], [sflag:$0x2] =	stream.indirect_vreg.gather [hbm4b:s7+s3], $0x80, v4, vm1, $0xb8;
	[tilespmem:$0x1B400] =	vst v63  }
0x5a: {  	s13 =	simm.s32 $0xF000  }
0x5b: {  	[tilespmem:s13], [sflag:$0x2] =	stream.indirect_vreg.gather [hbm4b:s2+s3], $0x80, v3, vm0, $0xb8;
	[tilespmem:$0x1B400] =	vst v63  }
0x5c: {  	s15 =	simm.s32 $0xF800  }
0x5d: {  	[tilespmem:s15], [sflag:$0x2] =	stream.indirect_vreg.gather [hbm4b:s5+s3], $0x80, v3, vm0, $0xb8;
	[tilespmem:$0x1B400] =	vst v63  }
0x5e: {  	s19 =	simm.s32 $0x10000  }
0x5f: {  	[tilespmem:s19], [sflag:$0x2] =	stream.indirect_vreg.gather [hbm4b:s6+s3], $0x80, v3, vm0, $0xb8;
	[tilespmem:$0x1B400] =	vst v63  }
0x60: {  	s20 =	simm.s32 $0x10800  }
0x61: {  	[tilespmem:s20], [sflag:$0x2] =	stream.indirect_vreg.gather [hbm4b:s7+s3], $0x80, v3, vm1, $0xb8;
	[tilespmem:$0x1B400] =	vst v63  }
0x62: {  	v3 =	vld [tilespmem:$0x90];
	_ =	sdelay $0x4  }
0x63: {  	v61 =	vshrl.u32 v3, $0x3  }
0x64: {  	v4 =	vmul.u32 $0x38, v61  }
0x65: {  	v3 =	vand.u32 $0x7, v3  }
0x66: {  	v3 =	vor.u32 v3, v4  }
0x67: {  	v4 =	vperm.xlane v3, v0;
	_ =	sdelay $0x1  }
0x68: {  	v4 =	vadd.s32 v1, v4;
	_ =	sdelay $0x3  }
0x69: {  	s21 =	simm.s32 $0x10C00  }
0x6a: {  	[tilespmem:s21], [sflag:$0x2] =	stream.indirect_vreg.gather [hbm4b:s2+s3], $0x80, v4, vm0, $0xb8;
	[tilespmem:$0x1B400] =	vst v63  }
0x6b: {  	s22 =	simm.s32 $0x11400;
	v3 =	vperm.xlane v3, v2  }
0x6c: {  	[tilespmem:s22], [sflag:$0x2] =	stream.indirect_vreg.gather [hbm4b:s5+s3], $0x80, v4, vm0, $0xb8;
	[tilespmem:$0x1B400] =	vst v63  }
0x6d: {  	s24 =	simm.s32 $0x11C00;
	v3 =	vadd.s32 v1, v3  }
0x6e: {  	[tilespmem:s24], [sflag:$0x2] =	stream.indirect_vreg.gather [hbm4b:s6+s3], $0x80, v4, vm0, $0xb8;
	[tilespmem:$0x1B400] =	vst v63  }
0x6f: {  	s26 =	simm.s32 $0x12400  }
0x70: {  	[tilespmem:s26], [sflag:$0x2] =	stream.indirect_vreg.gather [hbm4b:s7+s3], $0x80, v4, vm1, $0xb8;
	[tilespmem:$0x1B400] =	vst v63  }
0x71: {  	s31 =	simm.s32 $0x12800  }
0x72: {  	[tilespmem:s31], [sflag:$0x2] =	stream.indirect_vreg.gather [hbm4b:s2+s3], $0x80, v3, vm0, $0xb8;
	[tilespmem:$0x1B400] =	vst v63  }
0x73: {  	s1 =	simm.s32 $0x13000  }
0x74: {  	[tilespmem:s1], [sflag:$0x2] =	stream.indirect_vreg.gather [hbm4b:s5+s3], $0x80, v3, vm0, $0xb8;
	[tilespmem:$0x1B400] =	vst v63  }
0x75: {  	s4 =	simm.s32 $0x13800  }
0x76: {  	[tilespmem:s4], [sflag:$0x2] =	stream.indirect_vreg.gather [hbm4b:s6+s3], $0x80, v3, vm0, $0xb8;
	[tilespmem:$0x1B400] =	vst v63  }
0x77: {  	s8 =	simm.s32 $0x14000  }
0x78: {  	[tilespmem:s8], [sflag:$0x2] =	stream.indirect_vreg.gather [hbm4b:s7+s3], $0x80, v3, vm1, $0xb8;
	[tilespmem:$0x1B400] =	vst v63  }
0x79: {  	v3 =	vld [tilespmem:$0x100];
	_ =	sdelay $0x4  }
0x7a: {  	v62 =	vshrl.u32 v3, $0x3  }
0x7b: {  	v4 =	vmul.u32 $0x38, v62  }
0x7c: {  	v3 =	vand.u32 $0x7, v3  }
0x7d: {  	v3 =	vor.u32 v3, v4  }
0x7e: {  	v4 =	vperm.xlane v3, v0;
	_ =	sdelay $0x1  }
0x7f: {  	v4 =	vadd.s32 v1, v4;
	_ =	sdelay $0x4  }
0x80: {  	[tilespmem:s23], [sflag:$0x3] =	stream.indirect_vreg.gather [hbm4b:s2+s3], $0x80, v4, vm0, $0xb8;
	[tilespmem:$0x1B400] =	vst v63  }
0x81: {  	s9 =	simm.s32 $0x14C00;
	v3 =	vperm.xlane v3, v2  }
0x82: {  	[tilespmem:s9], [sflag:$0x3] =	stream.indirect_vreg.gather [hbm4b:s5+s3], $0x80, v4, vm0, $0xb8;
	[tilespmem:$0x1B400] =	vst v63  }
0x83: {  	s10 =	simm.s32 $0x15400;
	v3 =	vadd.s32 v1, v3  }
0x84: {  	[tilespmem:s10], [sflag:$0x3] =	stream.indirect_vreg.gather [hbm4b:s6+s3], $0x80, v4, vm0, $0xb8;
	[tilespmem:$0x1B400] =	vst v63  }
0x85: {  	s11 =	simm.s32 $0x15C00  }
0x86: {  	[tilespmem:s11], [sflag:$0x3] =	stream.indirect_vreg.gather [hbm4b:s7+s3], $0x80, v4, vm1, $0xb8;
	[tilespmem:$0x1B400] =	vst v63  }
0x87: {  	s12 =	simm.s32 $0x16000  }
0x88: {  	[tilespmem:s12], [sflag:$0x3] =	stream.indirect_vreg.gather [hbm4b:s2+s3], $0x80, v3, vm0, $0xb8;
	[tilespmem:$0x1B400] =	vst v63  }
0x89: {  	s13 =	simm.s32 $0x16800  }
0x8a: {  	[tilespmem:s13], [sflag:$0x3] =	stream.indirect_vreg.gather [hbm4b:s5+s3], $0x80, v3, vm0, $0xb8;
	[tilespmem:$0x1B400] =	vst v63  }
0x8b: {  	s15 =	simm.s32 $0x17000  }
0x8c: {  	[tilespmem:s15], [sflag:$0x3] =	stream.indirect_vreg.gather [hbm4b:s6+s3], $0x80, v3, vm0, $0xb8;
	[tilespmem:$0x1B400] =	vst v63  }
0x8d: {  	s19 =	simm.s32 $0x17800  }
0x8e: {  	[tilespmem:s19], [sflag:$0x3] =	stream.indirect_vreg.gather [hbm4b:s7+s3], $0x80, v3, vm1, $0xb8;
	[tilespmem:$0x1B400] =	vst v63  }
0x8f: {  	v3 =	vld [tilespmem:$0x110];
	_ =	sdelay $0x4  }
0x90: {  	v63 =	vshrl.u32 v3, $0x3  }
0x91: {  	v4 =	vmul.u32 $0x38, v63  }
0x92: {  	v3 =	vand.u32 $0x7, v3  }
0x93: {  	v3 =	vor.u32 v3, v4  }
0x94: {  	v4 =	vperm.xlane v3, v0;
	_ =	sdelay $0x1  }
0x95: {  	v4 =	vadd.s32 v1, v4;
	_ =	sdelay $0x2  }
0x96: {  	s0 =	simm.s32 $0xE400  }
0x97: {  	s28 =	simm.s32 $0xEC00;
	s29 =	simm.s32 $0x8000;
	s20 =	simm.s32 $0x17C00  }
0x98: {  	[tilespmem:s20], [sflag:$0x3] =	stream.indirect_vreg.gather [hbm4b:s2+s3], $0x80, v4, vm0, $0xb8;
	[tilespmem:$0x1B400] =	vst v63  }
0x99: {  	s30 =	simm.s32 $0x8800;
	s21 =	simm.s32 $0x18400;
	s22 =	simm.s32 $0x18C00;
	v3 =	vperm.xlane v3, v2  }
0x9a: {  	[tilespmem:s21], [sflag:$0x3] =	stream.indirect_vreg.gather [hbm4b:s5+s3], $0x80, v4, vm0, $0xb8;
	[tilespmem:$0x1B400] =	vst v63  }
0x9b: {  	s24 =	simm.s32 $0x19800;
	s26 =	simm.s32 $0x1A000;
	s31 =	simm.s32 $0x1A800;
	v3 =	vadd.s32 v1, v3  }
0x9c: {  	[tilespmem:s22], [sflag:$0x3] =	stream.indirect_vreg.gather [hbm4b:s6+s3], $0x80, v4, vm0, $0xb8;
	[tilespmem:$0x1B400] =	vst v63  }
0x9d: {  	s4 =	simm.s32 $0x14400;
	s8 =	simm.s32 $0x1B000;
	s23 =	simm.s32 $0x19400  }
0x9e: {  	[tilespmem:s23], [sflag:$0x3] =	stream.indirect_vreg.gather [hbm4b:s7+s3], $0x80, v4, vm1, $0xb8;
	[tilespmem:$0x1B400] =	vst v63  }
0x9f: {  	s9 =	simm.s32 $0xAC00;
	s10 =	simm.s32 $0xB400;
	s11 =	simm.s32 $0xB800  }
0xa0: {  	[tilespmem:s24], [sflag:$0x3] =	stream.indirect_vreg.gather [hbm4b:s2+s3], $0x80, v3, vm0, $0xb8;
	[tilespmem:$0x1B400] =	vst v63  }
0xa1: {  	s12 =	simm.s32 $0xC000;
	s13 =	simm.s32 $0xC800;
	s20 =	rddreg [dreg:$0xa]  }
0xa2: {  	[tilespmem:s26], [sflag:$0x3] =	stream.indirect_vreg.gather [hbm4b:s5+s3], $0x80, v3, vm0, $0xb8;
	[tilespmem:$0x1B400] =	vst v63  }
0xa3: {  	s15 =	simm.s32 $0xD000;
	s19 =	simm.s32 $0x210;
	s21 =	rddreg [dreg:$0x9]  }
0xa4: {  	[tilespmem:s31], [sflag:$0x3] =	stream.indirect_vreg.gather [hbm4b:s6+s3], $0x80, v3, vm0, $0xb8;
	[tilespmem:$0x1B400] =	vst v63  }
0xa5: {  	s22 =	rddreg [dreg:$0x8];
	s24 =	simm.s32 $0x0;
	s26 =	simm.s32 $0xDC00  }
0xa6: {  	[tilespmem:s8], [sflag:$0x3] =	stream.indirect_vreg.gather [hbm4b:s7+s3], $0x80, v3, vm1, $0xb8;
	[tilespmem:$0x1B400] =	vst v63  }
.LBB2_2:
0xa7: {  	_ =	swait.ge [sflag:s16], $0x7000  }
0xa8: {  	[sflag:s16] =	ssyncset.done $0x0  }
0xa9: {  	s31 =	simm.s32 $0x6400;
	[sflag:s16] =	ssyncadd.s32 $0xFFFF9000  }
0xaa: {  	[hbm4b:s20+s3] =	stream.linear.scatter [tilespmem:s31], [sflag:$0x4], $0x7000, $0x38;
	[tilespmem:$0x1B400] =	vst v63  }
0xab: {  	_ =	swait.ge [sflag:s14], $0x7000  }
0xac: {  	[sflag:s14] =	ssyncset.done $0x0  }
0xad: {  	[sflag:s14] =	ssyncadd.s32 $0xFFFF9000  }
0xae: {  	v3 =	vld [tilespmem:s19+$0xFFFFFF70];
	_ =	sdelay $0x4  }
0xaf: {  	v4 =	vshrl.u32 v3, $0x3  }
0xb0: {  	v4 =	vmul.u32 $0x38, v4  }
0xb1: {  	v3 =	vand.u32 $0x7, v3  }
0xb2: {  	v3 =	vor.u32 v3, v4  }
0xb3: {  	v4 =	vperm.xlane v3, v0;
	_ =	sdelay $0x1  }
0xb4: {  	v4 =	vadd.s32 v1, v4;
	_ =	sdelay $0x4  }
0xb5: {  	[tilespmem:s31], [sflag:$0x1] =	stream.indirect_vreg.gather [hbm4b:s2+s3], $0x80, v4, vm0, $0xb8;
	[tilespmem:$0x1B400] =	vst v63  }
0xb6: {  	v3 =	vperm.xlane v3, v2  }
0xb7: {  	[tilespmem:s25], [sflag:$0x1] =	stream.indirect_vreg.gather [hbm4b:s5+s3], $0x80, v4, vm0, $0xb8;
	[tilespmem:$0x1B400] =	vst v63  }
0xb8: {  	s23 =	simm.s32 $0x7400;
	v3 =	vadd.s32 v1, v3  }
0xb9: {  	[tilespmem:s23], [sflag:$0x1] =	stream.indirect_vreg.gather [hbm4b:s6+s3], $0x80, v4, vm0, $0xb8;
	[tilespmem:$0x1B400] =	vst v63  }
0xba: {  	s25 =	simm.s32 $0x7C00  }
0xbb: {  	[tilespmem:s25], [sflag:$0x1] =	stream.indirect_vreg.gather [hbm4b:s7+s3], $0x80, v4, vm1, $0xb8;
	[tilespmem:$0x1B400] =	vst v63  }
0xbc: {  	_ = 	snop  }
0xbd: {  	[tilespmem:s29], [sflag:$0x1] =	stream.indirect_vreg.gather [hbm4b:s2+s3], $0x80, v3, vm0, $0xb8;
	[tilespmem:$0x1B400] =	vst v63  }
0xbe: {  	_ = 	snop  }
0xbf: {  	[tilespmem:s30], [sflag:$0x1] =	stream.indirect_vreg.gather [hbm4b:s5+s3], $0x80, v3, vm0, $0xb8;
	[tilespmem:$0x1B400] =	vst v63  }
0xc0: {  	s25 =	simm.s32 $0x9000  }
0xc1: {  	[tilespmem:s25], [sflag:$0x1] =	stream.indirect_vreg.gather [hbm4b:s6+s3], $0x80, v3, vm0, $0xb8;
	[tilespmem:$0x1B400] =	vst v63  }
0xc2: {  	s25 =	simm.s32 $0x9800  }
0xc3: {  	[tilespmem:s25], [sflag:$0x1] =	stream.indirect_vreg.gather [hbm4b:s7+s3], $0x80, v3, vm1, $0xb8;
	[tilespmem:$0x1B400] =	vst v63  }
0xc4: {  	v3 =	vld [tilespmem:s19+$0xFFFFFF80];
	_ =	sdelay $0x4  }
0xc5: {  	v59 =	vshrl.u32 v3, $0x3  }
0xc6: {  	v4 =	vmul.u32 $0x38, v59  }
0xc7: {  	v3 =	vand.u32 $0x7, v3  }
0xc8: {  	v3 =	vor.u32 v3, v4  }
0xc9: {  	v4 =	vperm.xlane v3, v0;
	_ =	sdelay $0x1  }
0xca: {  	v4 =	vadd.s32 v1, v4;
	_ =	sdelay $0x3  }
0xcb: {  	s25 =	simm.s32 $0x9C00  }
0xcc: {  	[tilespmem:s25], [sflag:$0x1] =	stream.indirect_vreg.gather [hbm4b:s2+s3], $0x80, v4, vm0, $0xb8;
	[tilespmem:$0x1B400] =	vst v63  }
0xcd: {  	v3 =	vperm.xlane v3, v2;
	s25 =	simm.s32 $0xA400  }
0xce: {  	[tilespmem:s25], [sflag:$0x1] =	stream.indirect_vreg.gather [hbm4b:s5+s3], $0x80, v4, vm0, $0xb8;
	[tilespmem:$0x1B400] =	vst v63  }
0xcf: {  	v3 =	vadd.s32 v1, v3  }
0xd0: {  	[tilespmem:s9], [sflag:$0x1] =	stream.indirect_vreg.gather [hbm4b:s6+s3], $0x80, v4, vm0, $0xb8;
	[tilespmem:$0x1B400] =	vst v63  }
0xd1: {  	_ = 	snop  }
0xd2: {  	[tilespmem:s10], [sflag:$0x1] =	stream.indirect_vreg.gather [hbm4b:s7+s3], $0x80, v4, vm1, $0xb8;
	[tilespmem:$0x1B400] =	vst v63  }
0xd3: {  	_ = 	snop  }
0xd4: {  	[tilespmem:s11], [sflag:$0x1] =	stream.indirect_vreg.gather [hbm4b:s2+s3], $0x80, v3, vm0, $0xb8;
	[tilespmem:$0x1B400] =	vst v63  }
0xd5: {  	_ = 	snop  }
0xd6: {  	[tilespmem:s12], [sflag:$0x1] =	stream.indirect_vreg.gather [hbm4b:s5+s3], $0x80, v3, vm0, $0xb8;
	[tilespmem:$0x1B400] =	vst v63  }
0xd7: {  	_ = 	snop  }
0xd8: {  	[tilespmem:s13], [sflag:$0x1] =	stream.indirect_vreg.gather [hbm4b:s6+s3], $0x80, v3, vm0, $0xb8;
	[tilespmem:$0x1B400] =	vst v63  }
0xd9: {  	_ = 	snop  }
0xda: {  	[tilespmem:s15], [sflag:$0x1] =	stream.indirect_vreg.gather [hbm4b:s7+s3], $0x80, v3, vm1, $0xb8;
	[tilespmem:$0x1B400] =	vst v63  }
0xdb: {  	_ =	swait.ge [sflag:s17], $0x7000  }
0xdc: {  	[sflag:s17] =	ssyncset.done $0x0  }
0xdd: {  	s23 =	simm.s32 $0xD400;
	[sflag:s17] =	ssyncadd.s32 $0xFFFF9000  }
0xde: {  	[hbm4b:s21+s3] =	stream.linear.scatter [tilespmem:s23], [sflag:$0x4], $0x7000, $0x38;
	[tilespmem:$0x1B400] =	vst v63  }
0xdf: {  	_ =	swait.ge [sflag:s14], $0x7000  }
0xe0: {  	[sflag:s14] =	ssyncset.done $0x0  }
0xe1: {  	[sflag:s14] =	ssyncadd.s32 $0xFFFF9000  }
0xe2: {  	v3 =	vld [tilespmem:s19+$0xFFFFFFF0];
	_ =	sdelay $0x4  }
0xe3: {  	v60 =	vshrl.u32 v3, $0x3  }
0xe4: {  	v4 =	vmul.u32 $0x38, v60  }
0xe5: {  	v3 =	vand.u32 $0x7, v3  }
0xe6: {  	v3 =	vor.u32 v3, v4  }
0xe7: {  	v4 =	vperm.xlane v3, v0;
	_ =	sdelay $0x1  }
0xe8: {  	v4 =	vadd.s32 v1, v4;
	_ =	sdelay $0x4  }
0xe9: {  	[tilespmem:s23], [sflag:$0x2] =	stream.indirect_vreg.gather [hbm4b:s2+s3], $0x80, v4, vm0, $0xb8;
	[tilespmem:$0x1B400] =	vst v63  }
0xea: {  	v3 =	vperm.xlane v3, v2  }
0xeb: {  	[tilespmem:s26], [sflag:$0x2] =	stream.indirect_vreg.gather [hbm4b:s5+s3], $0x80, v4, vm0, $0xb8;
	[tilespmem:$0x1B400] =	vst v63  }
0xec: {  	v3 =	vadd.s32 v1, v3  }
0xed: {  	[tilespmem:s0], [sflag:$0x2] =	stream.indirect_vreg.gather [hbm4b:s6+s3], $0x80, v4, vm0, $0xb8;
	[tilespmem:$0x1B400] =	vst v63  }
0xee: {  	_ = 	snop  }
0xef: {  	[tilespmem:s28], [sflag:$0x2] =	stream.indirect_vreg.gather [hbm4b:s7+s3], $0x80, v4, vm1, $0xb8;
	[tilespmem:$0x1B400] =	vst v63  }
0xf0: {  	s23 =	simm.s32 $0xF000  }
0xf1: {  	[tilespmem:s23], [sflag:$0x2] =	stream.indirect_vreg.gather [hbm4b:s2+s3], $0x80, v3, vm0, $0xb8;
	[tilespmem:$0x1B400] =	vst v63  }
0xf2: {  	s23 =	simm.s32 $0xF800  }
0xf3: {  	[tilespmem:s23], [sflag:$0x2] =	stream.indirect_vreg.gather [hbm4b:s5+s3], $0x80, v3, vm0, $0xb8;
	[tilespmem:$0x1B400] =	vst v63  }
0xf4: {  	s23 =	simm.s32 $0x10000  }
0xf5: {  	[tilespmem:s23], [sflag:$0x2] =	stream.indirect_vreg.gather [hbm4b:s6+s3], $0x80, v3, vm0, $0xb8;
	[tilespmem:$0x1B400] =	vst v63  }
0xf6: {  	s23 =	simm.s32 $0x10800  }
0xf7: {  	[tilespmem:s23], [sflag:$0x2] =	stream.indirect_vreg.gather [hbm4b:s7+s3], $0x80, v3, vm1, $0xb8;
	[tilespmem:$0x1B400] =	vst v63  }
0xf8: {  	v3 =	vld [tilespmem:s19+$0x0];
	_ =	sdelay $0x4  }
0xf9: {  	v61 =	vshrl.u32 v3, $0x3  }
0xfa: {  	v4 =	vmul.u32 $0x38, v61  }
0xfb: {  	v3 =	vand.u32 $0x7, v3  }
0xfc: {  	v3 =	vor.u32 v3, v4  }
0xfd: {  	v4 =	vperm.xlane v3, v0;
	_ =	sdelay $0x1  }
0xfe: {  	v4 =	vadd.s32 v1, v4;
	_ =	sdelay $0x3  }
0xff: {  	s23 =	simm.s32 $0x10C00  }
0x100: {  	[tilespmem:s23], [sflag:$0x2] =	stream.indirect_vreg.gather [hbm4b:s2+s3], $0x80, v4, vm0, $0xb8;
	[tilespmem:$0x1B400] =	vst v63  }
0x101: {  	v3 =	vperm.xlane v3, v2;
	s23 =	simm.s32 $0x11400  }
0x102: {  	[tilespmem:s23], [sflag:$0x2] =	stream.indirect_vreg.gather [hbm4b:s5+s3], $0x80, v4, vm0, $0xb8;
	[tilespmem:$0x1B400] =	vst v63  }
0x103: {  	v3 =	vadd.s32 v1, v3;
	s23 =	simm.s32 $0x11C00  }
0x104: {  	[tilespmem:s23], [sflag:$0x2] =	stream.indirect_vreg.gather [hbm4b:s6+s3], $0x80, v4, vm0, $0xb8;
	[tilespmem:$0x1B400] =	vst v63  }
0x105: {  	s23 =	simm.s32 $0x12400  }
0x106: {  	[tilespmem:s23], [sflag:$0x2] =	stream.indirect_vreg.gather [hbm4b:s7+s3], $0x80, v4, vm1, $0xb8;
	[tilespmem:$0x1B400] =	vst v63  }
0x107: {  	s23 =	simm.s32 $0x12800  }
0x108: {  	[tilespmem:s23], [sflag:$0x2] =	stream.indirect_vreg.gather [hbm4b:s2+s3], $0x80, v3, vm0, $0xb8;
	[tilespmem:$0x1B400] =	vst v63  }
0x109: {  	s23 =	simm.s32 $0x13000  }
0x10a: {  	[tilespmem:s23], [sflag:$0x2] =	stream.indirect_vreg.gather [hbm4b:s5+s3], $0x80, v3, vm0, $0xb8;
	[tilespmem:$0x1B400] =	vst v63  }
0x10b: {  	s23 =	simm.s32 $0x13800  }
0x10c: {  	[tilespmem:s23], [sflag:$0x2] =	stream.indirect_vreg.gather [hbm4b:s6+s3], $0x80, v3, vm0, $0xb8;
	[tilespmem:$0x1B400] =	vst v63  }
0x10d: {  	s23 =	simm.s32 $0x14000  }
0x10e: {  	[tilespmem:s23], [sflag:$0x2] =	stream.indirect_vreg.gather [hbm4b:s7+s3], $0x80, v3, vm1, $0xb8;
	[tilespmem:$0x1B400] =	vst v63  }
0x10f: {  	_ =	swait.ge [sflag:s18], $0x7000  }
0x110: {  	[sflag:s18] =	ssyncset.done $0x0  }
0x111: {  	[sflag:s18] =	ssyncadd.s32 $0xFFFF9000  }
0x112: {  	[hbm4b:s22+s3] =	stream.linear.scatter [tilespmem:s4], [sflag:$0x4], $0x7000, $0x38;
	[tilespmem:$0x1B400] =	vst v63  }
0x113: {  	_ =	swait.ge [sflag:s14], $0x7000  }
0x114: {  	s23 =	smin.u32 s24, $0xC2;
	[sflag:s14] =	ssyncset.done $0x0  }
0x115: {  	s25 =	sshll.u32 s23, $0x7;
	[sflag:s14] =	ssyncadd.s32 $0xFFFF9000  }
0x116: {  	v3 =	vld [tilespmem:s25+$0x280];
	_ =	sdelay $0x4  }
0x117: {  	v62 =	vshrl.u32 v3, $0x3  }
0x118: {  	v4 =	vmul.u32 $0x38, v62  }
0x119: {  	v3 =	vand.u32 $0x7, v3  }
0x11a: {  	v3 =	vor.u32 v3, v4  }
0x11b: {  	v4 =	vperm.xlane v3, v0;
	_ =	sdelay $0x1  }
0x11c: {  	v4 =	vadd.s32 v1, v4;
	_ =	sdelay $0x4  }
0x11d: {  	[tilespmem:s4], [sflag:$0x3] =	stream.indirect_vreg.gather [hbm4b:s2+s3], $0x80, v4, vm0, $0xb8;
	[tilespmem:$0x1B400] =	vst v63  }
0x11e: {  	s23 =	simm.s32 $0x14C00;
	v3 =	vperm.xlane v3, v2  }
0x11f: {  	[tilespmem:s23], [sflag:$0x3] =	stream.indirect_vreg.gather [hbm4b:s5+s3], $0x80, v4, vm0, $0xb8;
	[tilespmem:$0x1B400] =	vst v63  }
0x120: {  	v3 =	vadd.s32 v1, v3;
	s23 =	simm.s32 $0x15400  }
0x121: {  	[tilespmem:s23], [sflag:$0x3] =	stream.indirect_vreg.gather [hbm4b:s6+s3], $0x80, v4, vm0, $0xb8;
	[tilespmem:$0x1B400] =	vst v63  }
0x122: {  	s23 =	simm.s32 $0x15C00  }
0x123: {  	[tilespmem:s23], [sflag:$0x3] =	stream.indirect_vreg.gather [hbm4b:s7+s3], $0x80, v4, vm1, $0xb8;
	[tilespmem:$0x1B400] =	vst v63  }
0x124: {  	s23 =	simm.s32 $0x16000  }
0x125: {  	[tilespmem:s23], [sflag:$0x3] =	stream.indirect_vreg.gather [hbm4b:s2+s3], $0x80, v3, vm0, $0xb8;
	[tilespmem:$0x1B400] =	vst v63  }
0x126: {  	s23 =	simm.s32 $0x16800  }
0x127: {  	[tilespmem:s23], [sflag:$0x3] =	stream.indirect_vreg.gather [hbm4b:s5+s3], $0x80, v3, vm0, $0xb8;
	[tilespmem:$0x1B400] =	vst v63  }
0x128: {  	s23 =	simm.s32 $0x17000  }
0x129: {  	[tilespmem:s23], [sflag:$0x3] =	stream.indirect_vreg.gather [hbm4b:s6+s3], $0x80, v3, vm0, $0xb8;
	[tilespmem:$0x1B400] =	vst v63  }
0x12a: {  	s23 =	simm.s32 $0x17800  }
0x12b: {  	[tilespmem:s23], [sflag:$0x3] =	stream.indirect_vreg.gather [hbm4b:s7+s3], $0x80, v3, vm1, $0xb8;
	[tilespmem:$0x1B400] =	vst v63  }
0x12c: {  	v3 =	vld [tilespmem:s25+$0x290];
	_ =	sdelay $0x4  }
0x12d: {  	v63 =	vshrl.u32 v3, $0x3  }
0x12e: {  	v4 =	vmul.u32 $0x38, v63  }
0x12f: {  	v3 =	vand.u32 $0x7, v3  }
0x130: {  	v3 =	vor.u32 v3, v4  }
0x131: {  	v4 =	vperm.xlane v3, v0;
	_ =	sdelay $0x1  }
0x132: {  	v4 =	vadd.s32 v1, v4;
	_ =	sdelay $0x3  }
0x133: {  	s23 =	simm.s32 $0x17C00  }
0x134: {  	[tilespmem:s23], [sflag:$0x3] =	stream.indirect_vreg.gather [hbm4b:s2+s3], $0x80, v4, vm0, $0xb8;
	[tilespmem:$0x1B400] =	vst v63  }
0x135: {  	v3 =	vperm.xlane v3, v2;
	s23 =	simm.s32 $0x18400  }
0x136: {  	[tilespmem:s23], [sflag:$0x3] =	stream.indirect_vreg.gather [hbm4b:s5+s3], $0x80, v4, vm0, $0xb8;
	[tilespmem:$0x1B400] =	vst v63  }
0x137: {  	v3 =	vadd.s32 v1, v3;
	s23 =	simm.s32 $0x18C00  }
0x138: {  	[tilespmem:s23], [sflag:$0x3] =	stream.indirect_vreg.gather [hbm4b:s6+s3], $0x80, v4, vm0, $0xb8;
	[tilespmem:$0x1B400] =	vst v63  }
0x139: {  	s23 =	simm.s32 $0x19400  }
0x13a: {  	[tilespmem:s23], [sflag:$0x3] =	stream.indirect_vreg.gather [hbm4b:s7+s3], $0x80, v4, vm1, $0xb8;
	[tilespmem:$0x1B400] =	vst v63  }
0x13b: {  	s23 =	simm.s32 $0x19800  }
0x13c: {  	[tilespmem:s23], [sflag:$0x3] =	stream.indirect_vreg.gather [hbm4b:s2+s3], $0x80, v3, vm0, $0xb8;
	[tilespmem:$0x1B400] =	vst v63  }
0x13d: {  	s1 =	simm.s32 $0x6400;
	p0 =	sne.s32 s24, $0xC3;
	s23 =	simm.s32 $0x1A000  }
0x13e: {  	[tilespmem:s23], [sflag:$0x3] =	stream.indirect_vreg.gather [hbm4b:s5+s3], $0x80, v3, vm0, $0xb8;
	[tilespmem:$0x1B400] =	vst v63  }
.Ltmp0:
0x13f: {  	s20 =	sadd.s32 $0x2A00, s20;
	s31 =	simm.s32 $0xD400;
	(pc) =	sbr.rel @p0 .LBB2_2-.Ltmp0, $4  }
0x140: {  	s21 =	sadd.s32 $0x2A00, s21;
	s19 =	sadd.s32 $0x180, s19;
	s23 =	simm.s32 $0x1A800  }
0x141: {  	[tilespmem:s23], [sflag:$0x3] =	stream.indirect_vreg.gather [hbm4b:s6+s3], $0x80, v3, vm0, $0xb8;
	[tilespmem:$0x1B400] =	vst v63  }
0x142: {  	s24 =	sadd.s32 $0x3, s24;
	s22 =	sadd.s32 $0x2A00, s22;
	s25 =	simm.s32 $0x6C00  }
0x143: {  	[tilespmem:s8], [sflag:$0x3] =	stream.indirect_vreg.gather [hbm4b:s7+s3], $0x80, v3, vm1, $0xb8;
	[tilespmem:$0x1B400] =	vst v63  }
0x144: {  	_ =	swait.ge [sflag:s16], $0x7000  }
0x145: {  	[sflag:s16] =	ssyncset.done $0x0  }
0x146: {  	s19 =	rddreg [dreg:$0x5];
	[sflag:s16] =	ssyncadd.s32 $0xFFFF9000  }
0x147: {  	[hbm4b:s19+s3] =	stream.linear.scatter [tilespmem:s1], [sflag:$0x4], $0x7000, $0x38;
	[tilespmem:$0x1B400] =	vst v63  }
0x148: {  	_ =	swait.ge [sflag:s14], $0x7000  }
0x149: {  	[sflag:s14] =	ssyncset.done $0x0  }
0x14a: {  	[sflag:s14] =	ssyncadd.s32 $0xFFFF9000  }
0x14b: {  	_ =	swait.ge [sflag:s17], $0x7000  }
0x14c: {  	[sflag:s17] =	ssyncset.done $0x0  }
0x14d: {  	s24 =	rddreg [dreg:$0x6];
	[sflag:s17] =	ssyncadd.s32 $0xFFFF9000  }
0x14e: {  	[hbm4b:s24+s3] =	stream.linear.scatter [tilespmem:s31], [sflag:$0x4], $0x7000, $0x38;
	[tilespmem:$0x1B400] =	vst v63  }
0x14f: {  	_ =	swait.ge [sflag:s14], $0x7000  }
0x150: {  	[sflag:s14] =	ssyncset.done $0x0  }
0x151: {  	[sflag:s14] =	ssyncadd.s32 $0xFFFF9000  }
0x152: {  	s20 =	simm.s32 $0x7400;
	s21 =	simm.s32 $0x7C00;
	_ =	swait.ge [sflag:s18], $0x7000  }
0x153: {  	s22 =	simm.s32 $0x8000;
	s4 =	simm.s32 $0x9C00;
	s0 =	rddreg [dreg:$0xb]  }
0x154: {  	s8 =	simm.s32 $0xA400;
	s26 =	rddreg [dreg:$0x7];
	s0 =	sadd.s32 $0x1, s0  }
0x155: {  	s9 =	simm.s32 $0xAC00;
	s10 =	simm.s32 $0xB400;
	p0 =	sne.s32 s0, s26  }
.Ltmp1:
0x156: {  	s11 =	simm.s32 $0xB800;
	s12 =	simm.s32 $0xC000;
	(pc) =	sbr.rel @p0 .LBB2_1-.Ltmp1, $4  }
0x157: {  	s13 =	simm.s32 $0xC800;
	s15 =	simm.s32 $0xD000;
	s28 =	simm.s32 $0xDC00  }
0x158: {  	s29 =	simm.s32 $0xE400;
	s30 =	simm.s32 $0xEC00;
	[sflag:s18] =	ssyncset.done $0x0  }
0x159: {  	s23 =	simm.s32 $0x14400;
	s24 =	simm.s32 $0x8800;
	[sflag:s18] =	ssyncadd.s32 $0xFFFF9000  }
0x15a: {  	[dreg:$0xb] =	wrdreg s0;
	s26 =	simm.s32 $0x9000;
	s0 =	simm.s32 $0x9800  }
0x15b: {  	_ =	sfence.sel $0x180000  }
0x15c: {  	[bflag:$0x0] =	sbarrier.arrive $0xFFFF  }
0x15d: {  	_ =	strace $0x90000047  }
0x15e: {  	s0 =	stileid.u32;
	[bflag:$0x2] =	sbarrier.arrive $0xFFFF  }
0x15f: {  	p0 =	sne.s32 s0, $0x0;
	s0 =	rddreg [dreg:$0x3]  }
0x160: {  	s0 =	sadd.s32 @!p0 $0x100000, s0  }
0x161: {  	[sflag:s0] =	ssyncadd.tile.s32 @!p0 $0x1;
	_ =	shalt  }
.Lfunc_end2:
_tile_overlayer_lowered:
.L_overlay_start_2:
0x162: {  	(tag) =	ssettag $0x2  }
0x163: {  	s0 =	rddreg [dreg:$0x0];
	s2 =	stileid.u32  }
0x164: {  	s1 =	rddreg [dreg:$0x1];
	p0 =	sne.s32 s2, $0x0  }
0x165: {  	s3 =	rddreg [dreg:$0x2];
	[bflag:$0x3] =	sbarrier.arrive $0xFFFF;
	s2 =	simm.s32 @!p0 $0x1C04  }
0x166: {  	[timem:s3], [sflag:s2] =	dma.local @!p0 [hbm:s0], s1  }
0x167: {  	s0 =	simm.s32 @!p0 $0x4  }
0x168: {  	_ =	swait.ge @!p0 [sflag:s0], s1  }
0x169: {  	s1 =	ssub.s32 @!p0 $0x0, s1;
	[sflag:s0] =	ssyncset.done @!p0 $0x0  }
0x16a: {  	[sflag:s0] =	ssyncadd.s32 @!p0 s1  }
0x16b: {  	[bflag:$0x3] =	sbarrier.arrive $0xFFFF  }
0x16c: {  	_ =	shalt  }

</sc_bundles>
